<compile_context>
chip_gen: v7x
topology: tpu7x:2x2x1
jax: 0.10.2.dev20260603
libtpu: 0.0.44.dev20260713+nightly
codegen_flags: <defaults>
</compile_context>

<pallas_src>
import functools

import jax
import jax.numpy as jnp
from jax import lax
from jax.experimental import pallas as pl
from jax.experimental.pallas import tpu as pltpu
from jax.experimental.pallas import tpu_sc as plsc

B, C0, N, KNN = 4, 3, 2048, 20
CP = 64
GW = 128
RB = 256
NT = 256
EPS = 1e-5
ECNT = float(B * KNN * N)


def _leaky(x):
    return jnp.where(x >= 0, x, 0.2 * x)


def _knn_body(hf_ref, hb_ref, xxf_ref, xxb_ref, idx_ref, cv_ref, pd_ref):
    b = pl.program_id(0)
    hf = hf_ref[0]
    hb = hb_ref[0]
    cv_ref[0] = jnp.concatenate([hb[:, :CP], -hb[:, :CP]], axis=1)
    dmat = lax.dot_general(hb, hf, (((1,), (1,)), ((), ())),
                           preferred_element_type=jnp.float32)
    inner = -2.0 * dmat
    xxb = xxb_ref[0][:, 0:1]
    xxf = xxf_ref[0, 0]
    t = jnp.negative(xxb) - inner
    pd_ref[...] = t - xxf[None, :]
    iota = lax.broadcasted_iota(jnp.int32, (RB, N), 1)
    base = b * N

    def step(t, carry):
        sc = pd_ref[...]
        m = jnp.max(sc, axis=1)
        cand = jnp.where(sc == m[:, None], iota, N)
        j = jnp.min(cand, axis=1)
        idx_ref[0, pl.ds(t, 1), :] = (j + base)[None, :]
        pd_ref[...] = jnp.where(iota == j[:, None], -jnp.inf, sc)
        return carry

    lax.fori_loop(0, KNN, step, 0)


def _knn(h, xx3, xxb):
    grid = (B, N // RB)
    return pl.pallas_call(
        _knn_body,
        grid=grid,
        in_specs=[
            pl.BlockSpec((1, N, GW), lambda b, n: (b, 0, 0)),
            pl.BlockSpec((1, RB, GW), lambda b, n: (b, n, 0)),
            pl.BlockSpec((1, 1, N), lambda b, n: (b, 0, 0)),
            pl.BlockSpec((1, RB, 128), lambda b, n: (b, n, 0)),
        ],
        out_specs=[
            pl.BlockSpec((1, KNN, RB), lambda b, n: (b, 0, n)),
            pl.BlockSpec((1, RB, GW), lambda b, n: (b, n, 0)),
        ],
        out_shape=[
            jax.ShapeDtypeStruct((B, KNN, N), jnp.int32),
            jax.ShapeDtypeStruct((B, N, GW), jnp.float32),
        ],
        scratch_shapes=[pltpu.VMEM((RB, N), jnp.float32)],
    )(h, h, xx3, xxb)


def _gather_rows(table, idx):
    info = plsc.get_sparse_core_info()
    nw = info.num_cores * info.num_subcores
    tot = idx.shape[0]
    per_w = tot // nw
    ch = 128
    n_ch = per_w // ch
    mesh = plsc.VectorSubcoreMesh(core_axis_name="c", subcore_axis_name="s")

    @functools.partial(
        pl.kernel,
        mesh=mesh,
        out_type=jax.ShapeDtypeStruct((tot, GW), jnp.float32),
        scratch_types=[
            pltpu.VMEM((ch,), jnp.int32),
            pltpu.VMEM((ch, GW), jnp.float32),
            pltpu.SemaphoreType.DMA,
        ],
    )
    def k(table_hbm, idx_hbm, out_hbm, idx_v, rows_v, sem):
        wid = lax.axis_index("s") * info.num_cores + lax.axis_index("c")
        base = wid * per_w

        def body(c, carry):
            off = base + c * ch
            pltpu.sync_copy(idx_hbm.at[pl.ds(off, ch)], idx_v)
            pltpu.async_copy(table_hbm.at[idx_v], rows_v, sem).wait()
            pltpu.sync_copy(rows_v, out_hbm.at[pl.ds(off, ch)])
            return carry

        lax.fori_loop(0, n_ch, body, 0)

    return k(table, idx)


def _conv1_body(g_ref, cv_ref, w_ref, y_ref):
    e = g_ref[0, 0] - cv_ref[0]
    y_ref[0, 0] = jnp.dot(e, w_ref[...], preferred_element_type=jnp.float32)


def _conv1(g, cv, w1p):
    grid = (B, KNN)
    return pl.pallas_call(
        _conv1_body,
        grid=grid,
        in_specs=[
            pl.BlockSpec((1, 1, N, GW), lambda b, k: (b, k, 0, 0)),
            pl.BlockSpec((1, N, GW), lambda b, k: (b, 0, 0)),
            pl.BlockSpec((GW, CP), lambda b, k: (0, 0)),
        ],
        out_specs=pl.BlockSpec((1, 1, N, CP), lambda b, k: (b, k, 0, 0)),
        out_shape=jax.ShapeDtypeStruct((B, KNN, N, CP), jnp.float32),
    )(g, cv, w1p)


def _bn_mirror(y, mu_row, v_row, g_row, b_row):
    xh = (y - mu_row) / jnp.sqrt(v_row + EPS)
    return _leaky(xh * g_row + b_row)


def _conv2_body(y1_ref, mu_ref, v_ref, g1_ref, b1_ref, w_ref, y_ref):
    z1 = _bn_mirror(y1_ref[0, 0], mu_ref[0:1, :], v_ref[0:1, :],
                    g1_ref[...], b1_ref[...])
    y_ref[0, 0] = jnp.dot(z1, w_ref[...], preferred_element_type=jnp.float32)


def _conv2(y1, mu1, v1, g1, b1, w2t):
    grid = (B, KNN)
    return pl.pallas_call(
        _conv2_body,
        grid=grid,
        in_specs=[
            pl.BlockSpec((1, 1, N, CP), lambda b, k: (b, k, 0, 0)),
            pl.BlockSpec((8, CP), lambda b, k: (0, 0)),
            pl.BlockSpec((8, CP), lambda b, k: (0, 0)),
            pl.BlockSpec((1, CP), lambda b, k: (0, 0)),
            pl.BlockSpec((1, CP), lambda b, k: (0, 0)),
            pl.BlockSpec((CP, CP), lambda b, k: (0, 0)),
        ],
        out_specs=pl.BlockSpec((1, 1, N, CP), lambda b, k: (b, k, 0, 0)),
        out_shape=jax.ShapeDtypeStruct((B, KNN, N, CP), jnp.float32),
    )(y1, mu1, v1, g1, b1, w2t)


def _final_body(y2_ref, mu_ref, v_ref, g2_ref, b2_ref, h_ref):
    k = pl.program_id(1)
    z2 = _bn_mirror(y2_ref[0, 0], mu_ref[0:1, :], v_ref[0:1, :],
                    g2_ref[...], b2_ref[...])
    z2 = jnp.pad(z2, ((0, 0), (0, GW - CP)))

    @pl.when(k == 0)
    def _():
        h_ref[0] = z2

    @pl.when(k > 0)
    def _():
        h_ref[0] = jnp.maximum(h_ref[0], z2)


def _finalize(y2, mu2, v2, g2, b2):
    grid = (B, KNN)
    return pl.pallas_call(
        _final_body,
        grid=grid,
        in_specs=[
            pl.BlockSpec((1, 1, N, CP), lambda b, k: (b, k, 0, 0)),
            pl.BlockSpec((8, CP), lambda b, k: (0, 0)),
            pl.BlockSpec((8, CP), lambda b, k: (0, 0)),
            pl.BlockSpec((1, CP), lambda b, k: (0, 0)),
            pl.BlockSpec((1, CP), lambda b, k: (0, 0)),
        ],
        out_specs=pl.BlockSpec((1, N, GW), lambda b, k: (b, 0, 0)),
        out_shape=jax.ShapeDtypeStruct((B, N, GW), jnp.float32),
    )(y2, mu2, v2, g2, b2)


def _mean_body(x_ref, o_ref, acc_ref):
    i0, i1 = pl.program_id(0), pl.program_id(1)
    first = (i0 == 0) & (i1 == 0)
    last = ((i0 == pl.num_programs(0) - 1) &
            (i1 == pl.num_programs(1) - 1))
    xb = x_ref[0]

    @pl.when(first)
    def _():
        acc_ref[...] = jnp.zeros((CP, 8, KNN), jnp.float32)

    acc_ref[...] += jnp.sum(xb.reshape(CP, NT // 8, 8, KNN), axis=1)

    @pl.when(last)
    def _():
        s = jnp.sum(acc_ref[...], axis=(1, 2))
        o_ref[...] = jnp.broadcast_to((s / ECNT)[None, :], (8, CP))


def _mean_ref_layout(xt):
    grid = (B, N // NT)
    return pl.pallas_call(
        _mean_body,
        grid=grid,
        in_specs=[pl.BlockSpec((1, CP, NT, KNN), lambda b, n: (b, 0, n, 0))],
        out_specs=pl.BlockSpec((8, CP), lambda b, n: (0, 0)),
        out_shape=jax.ShapeDtypeStruct((8, CP), jnp.float32),
        scratch_shapes=[pltpu.VMEM((CP, 8, KNN), jnp.float32)],
    )(xt)


def _var_body(x_ref, mu_ref, o_ref, acc_ref):
    i0, i1 = pl.program_id(0), pl.program_id(1)
    first = (i0 == 0) & (i1 == 0)
    last = ((i0 == pl.num_programs(0) - 1) &
            (i1 == pl.num_programs(1) - 1))
    xc = x_ref[0] - mu_ref[...]
    xc = xc * xc

    @pl.when(first)
    def _():
        acc_ref[...] = jnp.zeros((CP, 8, KNN), jnp.float32)

    acc_ref[...] += jnp.sum(xc.reshape(CP, NT // 8, 8, KNN), axis=1)

    @pl.when(last)
    def _():
        s = jnp.sum(acc_ref[...], axis=(1, 2))
        o_ref[...] = jnp.broadcast_to((s / ECNT)[None, :], (8, CP))


def _var_ref_layout(xt, mu_full):
    grid = (B, N // NT)
    return pl.pallas_call(
        _var_body,
        grid=grid,
        in_specs=[
            pl.BlockSpec((1, CP, NT, KNN), lambda b, n: (b, 0, n, 0)),
            pl.BlockSpec((CP, NT, KNN), lambda b, n: (0, 0, 0)),
        ],
        out_specs=pl.BlockSpec((8, CP), lambda b, n: (0, 0)),
        out_shape=jax.ShapeDtypeStruct((8, CP), jnp.float32),
        scratch_shapes=[pltpu.VMEM((CP, 8, KNN), jnp.float32)],
    )(xt, mu_full)


def _bn_stats(y):
    yt = jnp.transpose(y, (0, 3, 2, 1))
    mu = _mean_ref_layout(yt)
    mu_full = jnp.broadcast_to(mu[0][:, None, None], (CP, NT, KNN))
    v = _var_ref_layout(yt, mu_full)
    return mu, v


def _edge_conv(h, xx, w1, g1v, b1v, w2, g2v, b2v, cin):
    xx3 = xx[:, None, :]
    xxb = jnp.broadcast_to(xx[:, :, None], (B, N, 128))
    idx, cv = _knn(h, xx3, xxb)
    g = _gather_rows(h.reshape(B * N, GW), idx.reshape(B * KNN * N))
    g = g.reshape(B, KNN, N, GW)
    w1p = jnp.zeros((GW, CP), jnp.float32)
    w1p = w1p.at[:cin, :].set(w1[:, :cin].T)
    w1p = w1p.at[CP:CP + cin, :].set(w1[:, cin:].T)
    y1 = _conv1(g, cv, w1p)
    mu1, v1 = _bn_stats(y1)
    g1r, b1r = g1v.reshape(1, CP), b1v.reshape(1, CP)
    g2r, b2r = g2v.reshape(1, CP), b2v.reshape(1, CP)
    y2 = _conv2(y1, mu1, v1, g1r, b1r, w2.T)
    mu2, v2 = _bn_stats(y2)
    return _finalize(y2, mu2, v2, g2r, b2r)


NBM = 512


def _mlp1_body(hc_ref, w_ref, y_ref, s_ref, ss_ref):
    first = (pl.program_id(0) == 0) & (pl.program_id(1) == 0)
    y = jnp.dot(hc_ref[0], w_ref[...], preferred_element_type=jnp.float32)
    y_ref[0] = y
    y4 = y.reshape(8, NBM // 8, 512)
    s8 = jnp.sum(y4, axis=1)
    ss8 = jnp.sum(y4 * y4, axis=1)

    @pl.when(first)
    def _():
        s_ref[...] = s8
        ss_ref[...] = ss8

    @pl.when(jnp.logical_not(first))
    def _():
        s_ref[...] += s8
        ss_ref[...] += ss8


def _mlp1(hc, w0t):
    grid = (B, N // NBM)
    return pl.pallas_call(
        _mlp1_body,
        grid=grid,
        in_specs=[
            pl.BlockSpec((1, NBM, 192), lambda b, n: (b, n, 0)),
            pl.BlockSpec((192, 512), lambda b, n: (0, 0)),
        ],
        out_specs=[
            pl.BlockSpec((1, NBM, 512), lambda b, n: (b, n, 0)),
            pl.BlockSpec((8, 512), lambda b, n: (0, 0)),
            pl.BlockSpec((8, 512), lambda b, n: (0, 0)),
        ],
        out_shape=[
            jax.ShapeDtypeStruct((B, N, 512), jnp.float32),
            jax.ShapeDtypeStruct((8, 512), jnp.float32),
            jax.ShapeDtypeStruct((8, 512), jnp.float32),
        ],
    )(hc, w0t)


def _mlp2_body(y0_ref, s0_ref, ss0_ref, g0_ref, b0_ref, w_ref,
               y_ref, s_ref, ss_ref):
    first = (pl.program_id(0) == 0) & (pl.program_id(1) == 0)
    cnt = float(B * N)
    s0 = jnp.sum(s0_ref[...], axis=0, keepdims=True)
    ss0 = jnp.sum(ss0_ref[...], axis=0, keepdims=True)
    mu = s0 / cnt
    var = ss0 / cnt - mu * mu
    z0 = _bn_mirror(y0_ref[0], mu, var, g0_ref[...], b0_ref[...])
    y = jnp.dot(z0, w_ref[...], preferred_element_type=jnp.float32)
    y_ref[0] = y
    y4 = y.reshape(8, NBM // 8, 256)
    s8 = jnp.sum(y4, axis=1)
    ss8 = jnp.sum(y4 * y4, axis=1)

    @pl.when(first)
    def _():
        s_ref[...] = s8
        ss_ref[...] = ss8

    @pl.when(jnp.logical_not(first))
    def _():
        s_ref[...] += s8
        ss_ref[...] += ss8


def _mlp2(y0, s0, ss0, g0, b0, w1t):
    grid = (B, N // NBM)
    return pl.pallas_call(
        _mlp2_body,
        grid=grid,
        in_specs=[
            pl.BlockSpec((1, NBM, 512), lambda b, n: (b, n, 0)),
            pl.BlockSpec((8, 512), lambda b, n: (0, 0)),
            pl.BlockSpec((8, 512), lambda b, n: (0, 0)),
            pl.BlockSpec((1, 512), lambda b, n: (0, 0)),
            pl.BlockSpec((1, 512), lambda b, n: (0, 0)),
            pl.BlockSpec((512, 256), lambda b, n: (0, 0)),
        ],
        out_specs=[
            pl.BlockSpec((1, NBM, 256), lambda b, n: (b, n, 0)),
            pl.BlockSpec((8, 256), lambda b, n: (0, 0)),
            pl.BlockSpec((8, 256), lambda b, n: (0, 0)),
        ],
        out_shape=[
            jax.ShapeDtypeStruct((B, N, 256), jnp.float32),
            jax.ShapeDtypeStruct((8, 256), jnp.float32),
            jax.ShapeDtypeStruct((8, 256), jnp.float32),
        ],
    )(y0, s0, ss0, g0, b0, w1t)


def _qkv_body(y1_ref, s1_ref, ss1_ref, g1_ref, b1_ref,
              wq_ref, bq_ref, wk_ref, bk_ref, wv_ref, bv_ref,
              o_ref, q_ref, k_ref, v_ref):
    cnt = float(B * N)
    s1 = jnp.sum(s1_ref[...], axis=0, keepdims=True)
    ss1 = jnp.sum(ss1_ref[...], axis=0, keepdims=True)
    mu = s1 / cnt
    var = ss1 / cnt - mu * mu
    om = _bn_mirror(y1_ref[0], mu, var, g1_ref[...], b1_ref[...])
    o_ref[0] = om
    q_ref[0] = jnp.dot(om, wq_ref[...],
                       preferred_element_type=jnp.float32) + bq_ref[...]
    k_ref[0] = jnp.dot(om, wk_ref[...],
                       preferred_element_type=jnp.float32) + bk_ref[...]
    v_ref[0] = jnp.dot(om, wv_ref[...],
                       preferred_element_type=jnp.float32) + bv_ref[...]


def _qkv(y1, s1, ss1, g1, b1, wqt, bq, wkt, bk, wvt, bv):
    grid = (B, N // NBM)
    return pl.pallas_call(
        _qkv_body,
        grid=grid,
        in_specs=[
            pl.BlockSpec((1, NBM, 256), lambda b, n: (b, n, 0)),
            pl.BlockSpec((8, 256), lambda b, n: (0, 0)),
            pl.BlockSpec((8, 256), lambda b, n: (0, 0)),
            pl.BlockSpec((1, 256), lambda b, n: (0, 0)),
            pl.BlockSpec((1, 256), lambda b, n: (0, 0)),
            pl.BlockSpec((256, 128), lambda b, n: (0, 0)),
            pl.BlockSpec((1, 128), lambda b, n: (0, 0)),
            pl.BlockSpec((256, 128), lambda b, n: (0, 0)),
            pl.BlockSpec((1, 128), lambda b, n: (0, 0)),
            pl.BlockSpec((256, 256), lambda b, n: (0, 0)),
            pl.BlockSpec((1, 256), lambda b, n: (0, 0)),
        ],
        out_specs=[
            pl.BlockSpec((1, NBM, 256), lambda b, n: (b, n, 0)),
            pl.BlockSpec((1, NBM, 128), lambda b, n: (b, n, 0)),
            pl.BlockSpec((1, NBM, 128), lambda b, n: (b, n, 0)),
            pl.BlockSpec((1, NBM, 256), lambda b, n: (b, n, 0)),
        ],
        out_shape=[
            jax.ShapeDtypeStruct((B, N, 256), jnp.float32),
            jax.ShapeDtypeStruct((B, N, 128), jnp.float32),
            jax.ShapeDtypeStruct((B, N, 128), jnp.float32),
            jax.ShapeDtypeStruct((B, N, 256), jnp.float32),
        ],
    )(y1, s1, ss1, g1, b1, wqt, bq, wkt, bk, wvt, bv)


def _attn_body(q_ref, k_ref, v_ref, o_ref, gm_ref, out_ref):
    s = lax.dot_general(q_ref[0], k_ref[0], (((1,), (1,)), ((), ())),
                        preferred_element_type=jnp.float32)
    m = jnp.max(s, axis=1)
    p = jnp.exp(s - m[:, None])
    den = jnp.sum(p, axis=1)
    attn = p / den[:, None]
    ao = jnp.dot(attn, v_ref[0], preferred_element_type=jnp.float32)
    out_ref[0] = gm_ref[0, 0] * ao + o_ref[0]


def _attention(q, k, v, om, gamma):
    grid = (B, N // RB)
    return pl.pallas_call(
        _attn_body,
        grid=grid,
        in_specs=[
            pl.BlockSpec((1, RB, 128), lambda b, n: (b, n, 0)),
            pl.BlockSpec((1, N, 128), lambda b, n: (b, 0, 0)),
            pl.BlockSpec((1, N, 256), lambda b, n: (b, 0, 0)),
            pl.BlockSpec((1, RB, 256), lambda b, n: (b, n, 0)),
            pl.BlockSpec((1, 1), lambda b, n: (0, 0)),
        ],
        out_specs=pl.BlockSpec((1, RB, 256), lambda b, n: (b, n, 0)),
        out_shape=jax.ShapeDtypeStruct((B, N, 256), jnp.float32),
    )(q, k, v, om, gamma)


def kernel(x, params):
    p = params
    h = jnp.transpose(x, (0, 2, 1))
    h = jnp.pad(h, ((0, 0), (0, 0), (0, GW - C0)))
    feats = []
    cins = [C0, CP, CP]
    for i in range(3):
        if i == 0:
            xx = jnp.sum(x * x, axis=1)
        else:
            hT = jnp.transpose(h[:, :, :CP], (0, 2, 1))
            xx = jnp.sum(hT * hT, axis=1)
        h = _edge_conv(h, xx, p['ec%d_w0' % i], p['ec%d_g0' % i],
                       p['ec%d_b0' % i], p['ec%d_w1' % i],
                       p['ec%d_g1' % i], p['ec%d_b1' % i], cins[i])
        feats.append(h)
    hc = jnp.concatenate([f[:, :, :CP] for f in feats], axis=2)
    y0, s0, ss0 = _mlp1(hc, p['mlp_w0'].T)
    g0, b0 = p['mlp_g0'].reshape(1, 512), p['mlp_b0'].reshape(1, 512)
    y1, s1, ss1 = _mlp2(y0, s0, ss0, g0, b0, p['mlp_w1'].T)
    g1, b1 = p['mlp_g1'].reshape(1, 256), p['mlp_b1'].reshape(1, 256)
    om, q, k, v = _qkv(y1, s1, ss1, g1, b1,
                       p['wq'].T, p['bq'].reshape(1, 128),
                       p['wk'].T, p['bk'].reshape(1, 128),
                       p['wv'].T, p['bv'].reshape(1, 256))
    out2 = _attention(q, k, v, om, p['gamma'].reshape(1, 1))
    feat0 = jnp.transpose(feats[0][:, :, :CP], (0, 2, 1))
    out2 = jnp.transpose(out2, (0, 2, 1))
    return (feat0, out2)

# --- scband reference (transcript-rebuilt; emitter-appended) ---
"""Pipeline reference for scband-dgcnn-atten-53206054863445 (READ-ONLY COPY).

The authoritative reference and input builder live on the scoring server;
editing this copy changes nothing except your own understanding.
"""

import jax, jax.numpy as jnp
import numpy as np

K = 20

def knn_idx(x, k):
    inner = -2.0 * jnp.einsum('bcn,bcm->bnm', x, x)
    xx = jnp.sum(x * x, axis=1)
    pd = -xx[:, :, None] - inner - xx[:, None, :]
    return jax.lax.top_k(pd, k)[1]

def gather_neighbors(x, idx):
    xt = jnp.transpose(x, (0, 2, 1))
    g = jax.vmap(lambda xb, ib: xb[ib])(xt, idx)
    return jnp.transpose(g, (0, 3, 1, 2))

def get_edge_feature(x, k):
    idx = jax.lax.stop_gradient(knn_idx(x, k))
    knn_feat = gather_neighbors(x, idx)
    central = jnp.broadcast_to(x[:, :, :, None], knn_feat.shape)
    return jnp.concatenate([knn_feat - central, central], axis=1)

def leaky(x):
    return jnp.where(x >= 0, x, 0.2 * x)

def bn(x, g, b, axes):
    m = jnp.mean(x, axis=axes, keepdims=True)
    v = jnp.var(x, axis=axes, keepdims=True)
    xh = (x - m) / jnp.sqrt(v + 1e-5)
    shp = [1, -1] + [1] * (x.ndim - 2)
    return xh * g.reshape(shp) + b.reshape(shp)

def _forward(x, p):
    feats = []
    h = x
    for i in range(3):
        e = get_edge_feature(h, K)
        for j in range(2):
            e = jnp.einsum('oc,bcnk->bonk', p['ec%d_w%d' % (i, j)], e)
            e = bn(e, p['ec%d_g%d' % (i, j)], p['ec%d_b%d' % (i, j)], (0, 2, 3))
            e = leaky(e)
        h = jnp.max(e, axis=-1)
        feats.append(h)
    out = jnp.concatenate(feats, axis=1)
    for j in range(2):
        out = jnp.einsum('oc,bcn->bon', p['mlp_w%d' % j], out)
        out = bn(out, p['mlp_g%d' % j], p['mlp_b%d' % j], (0, 2))
        out = leaky(out)
    q = jnp.einsum('oc,bcn->bon', p['wq'], out) + p['bq'][None, :, None]
    kk = jnp.einsum('oc,bcn->bon', p['wk'], out) + p['bk'][None, :, None]
    v = jnp.einsum('oc,bcn->bon', p['wv'], out) + p['bv'][None, :, None]
    energy = jnp.einsum('bdn,bdm->bnm', q, kk)
    attn = jax.nn.softmax(energy, axis=-1)
    ao = jnp.einsum('bcn,bmn->bcm', v, attn)
    out2 = p['gamma'] * ao + out
    return (feats[0], out2)

def _init_params():
    key = jax.random.key(1)
    p = {}
    widths = [[64, 64], [64, 64], [64, 64]]
    ctr = [0]
    def nxt():
        ctr[0] += 1
        return jax.random.fold_in(key, ctr[0])
    for i in range(3):
        cin = 6 if i == 0 else widths[i - 1][-1] * 2
        for j in range(2):
            cout = widths[i][j]
            p['ec%d_w%d' % (i, j)] = jax.random.normal(nxt(), (cout, cin), jnp.float32) / np.sqrt(cin)
            p['ec%d_g%d' % (i, j)] = jnp.ones((cout,), jnp.float32)
            p['ec%d_b%d' % (i, j)] = jnp.zeros((cout,), jnp.float32)
            cin = cout
    mlp = [512, 256]
    cin = 192
    for j in range(2):
        cout = mlp[j]
        p['mlp_w%d' % j] = jax.random.normal(nxt(), (cout, cin), jnp.float32) / np.sqrt(cin)
        p['mlp_g%d' % j] = jnp.ones((cout,), jnp.float32)
        p['mlp_b%d' % j] = jnp.zeros((cout,), jnp.float32)
        cin = cout
    d, da = 256, 128
    p['wq'] = jax.random.normal(nxt(), (da, d), jnp.float32) / np.sqrt(d)
    p['bq'] = jnp.zeros((da,), jnp.float32)
    p['wk'] = jax.random.normal(nxt(), (da, d), jnp.float32) / np.sqrt(d)
    p['bk'] = jnp.zeros((da,), jnp.float32)
    p['wv'] = jax.random.normal(nxt(), (d, d), jnp.float32) / np.sqrt(d)
    p['bv'] = jnp.zeros((d,), jnp.float32)
    p['gamma'] = jnp.ones((), jnp.float32)
    return p

def setup_inputs(seed: int = 0):
    key = jax.random.key(seed)
    x = jax.random.normal(key, (4, 3, 2048), jnp.float32)
    return {'x': x, 'params': _init_params()}

def reference(x, params):
    return _forward(x, params)

if __name__ == "__main__":
    import jax
    _d = setup_inputs()
    print(jax.jit(kernel)(*tuple(_d.values())))

</pallas_src>

<mosaic_0001>
#map = affine_map<(d0, d1) -> (0, 0)>
#map1 = affine_map<(d0, d1) -> (0)>
module attributes {stable_mosaic.version = 14 : i64} {
  func.func @k(%arg0: i32, %arg1: i32, %arg2: memref<8192x128xf32, #tpu.memory_space<hbm>>, %arg3: memref<163840xi32, #tpu.memory_space<hbm>>, %arg4: memref<163840x128xf32, #tpu.memory_space<hbm>>, %arg5: memref<128xi32, #tpu.memory_space<vmem>>, %arg6: memref<128x128xf32, #tpu.memory_space<vmem>>, %arg7: memref<!tpu.dma_semaphore, #tpu.memory_space<semaphore_mem>>) attributes {dimension_semantics = [#tpu.dimension_semantics<core_parallel>, #tpu.dimension_semantics<subcore_parallel>], iteration_bounds = array<i64: 2, 16>, scalar_prefetch = 0 : i64, scratch_operands = 3 : i64, tpu.core_type = #tpu.core_type<sc_vector_subcore>, window_params = [{transform_indices = #map}, {transform_indices = #map1}, {transform_indices = #map}]} {
    %mul3A = arith.constant 2 : i32
    %mul3A_0 = arith.muli %arg1, %mul3A : i32
    %add3A = arith.addi %mul3A_0, %arg0 : i32
    %mul3A_1 = arith.constant 5120 : i32
    %mul3A_2 = arith.muli %add3A, %mul3A_1 : i32
    %scan3A = arith.constant 0 : i32
    %scan3A_3 = arith.constant 0 : i32
    %scan3A_4 = arith.constant 40 : i32
    %scan3A_5 = arith.addi %scan3A_3, %scan3A_4 : i32
    %scan3A_6 = arith.constant 1 : i32
    scf.for %scan3A_8 = %scan3A_3 to %scan3A_5 step %scan3A_6  : i32 {
      %mul3A_9 = arith.constant 128 : i32
      %mul3A_10 = arith.muli %scan3A_8, %mul3A_9 : i32
      %add3A_11 = arith.addi %mul3A_2, %mul3A_10 : i32
      "tpu.region"() ({
        %run_scoped3A = tpu.sem_alloc : memref<!tpu.dma_semaphore, #tpu.memory_space<semaphore_mem>>
        %dma_start3A_16 = tpu.memref_slice %arg3[%add3A_11] : memref<163840xi32, #tpu.memory_space<hbm>> -> memref<128xi32, #tpu.memory_space<hbm>>
        %dma_start3A_17 = tpu.memref_slice %arg3[%add3A_11] : memref<163840xi32, #tpu.memory_space<hbm>> -> memref<128xi32, #tpu.memory_space<hbm>>
        tpu.enqueue_dma source(%dma_start3A_17 : memref<128xi32, #tpu.memory_space<hbm>>) target(%arg5 : memref<128xi32, #tpu.memory_space<vmem>>) target_semaphore(%run_scoped3A : memref<!tpu.dma_semaphore, #tpu.memory_space<semaphore_mem>>)
        %dma_wait3A_18 = tpu.memref_slice %arg3[%add3A_11] : memref<163840xi32, #tpu.memory_space<hbm>> -> memref<128xi32, #tpu.memory_space<hbm>>
        %dma_wait3A_19 = tpu.memref_slice %arg3[%add3A_11] : memref<163840xi32, #tpu.memory_space<hbm>> -> memref<128xi32, #tpu.memory_space<hbm>>
        tpu.wait_dma2 semaphore(%run_scoped3A : memref<!tpu.dma_semaphore, #tpu.memory_space<semaphore_mem>>) src(%dma_wait3A_19 : memref<128xi32, #tpu.memory_space<hbm>>) dst(%arg5 : memref<128xi32, #tpu.memory_space<vmem>>)
        tpu.yield
      }) : () -> ()
      %dma_start3A = arith.constant 0 : i32
      %dma_start3A_12 = arith.constant 0 : i32
      %dma_start3A_13 = tpu.memref_slice %arg2[%dma_start3A, %dma_start3A_12] : memref<8192x128xf32, #tpu.memory_space<hbm>> -> memref<8192x128xf32, #tpu.memory_space<hbm>>
      tpu.enqueue_indirect_dma source(%dma_start3A_13 : memref<8192x128xf32, #tpu.memory_space<hbm>>) target(%arg6 : memref<128x128xf32, #tpu.memory_space<vmem>>) offsets(%arg5 : memref<128xi32, #tpu.memory_space<vmem>>) semaphore(%arg7 : memref<!tpu.dma_semaphore, #tpu.memory_space<semaphore_mem>>)
      %dma_wait3A = arith.constant 0 : i32
      %dma_wait3A_14 = arith.constant 0 : i32
      %dma_wait3A_15 = tpu.memref_slice %arg2[%dma_wait3A, %dma_wait3A_14] : memref<8192x128xf32, #tpu.memory_space<hbm>> -> memref<8192x128xf32, #tpu.memory_space<hbm>>
      tpu.wait_indirect_dma semaphore(%arg7 : memref<!tpu.dma_semaphore, #tpu.memory_space<semaphore_mem>>) src(%dma_wait3A_15 : memref<8192x128xf32, #tpu.memory_space<hbm>>) dst(%arg6 : memref<128x128xf32, #tpu.memory_space<vmem>>)
      "tpu.region"() ({
        %run_scoped3A = tpu.sem_alloc : memref<!tpu.dma_semaphore, #tpu.memory_space<semaphore_mem>>
        %dma_start3A_16 = arith.constant 0 : i32
        %dma_start3A_17 = tpu.memref_slice %arg4[%add3A_11, %dma_start3A_16] : memref<163840x128xf32, #tpu.memory_space<hbm>> -> memref<128x128xf32, #tpu.memory_space<hbm>>
        %dma_start3A_18 = arith.constant 0 : i32
        %dma_start3A_19 = tpu.memref_slice %arg4[%add3A_11, %dma_start3A_18] : memref<163840x128xf32, #tpu.memory_space<hbm>> -> memref<128x128xf32, #tpu.memory_space<hbm>>
        tpu.enqueue_dma source(%arg6 : memref<128x128xf32, #tpu.memory_space<vmem>>) target(%dma_start3A_19 : memref<128x128xf32, #tpu.memory_space<hbm>>) target_semaphore(%run_scoped3A : memref<!tpu.dma_semaphore, #tpu.memory_space<semaphore_mem>>)
        %dma_wait3A_20 = arith.constant 0 : i32
        %dma_wait3A_21 = tpu.memref_slice %arg4[%add3A_11, %dma_wait3A_20] : memref<163840x128xf32, #tpu.memory_space<hbm>> -> memref<128x128xf32, #tpu.memory_space<hbm>>
        %dma_wait3A_22 = arith.constant 0 : i32
        %dma_wait3A_23 = tpu.memref_slice %arg4[%add3A_11, %dma_wait3A_22] : memref<163840x128xf32, #tpu.memory_space<hbm>> -> memref<128x128xf32, #tpu.memory_space<hbm>>
        tpu.wait_dma2 semaphore(%run_scoped3A : memref<!tpu.dma_semaphore, #tpu.memory_space<semaphore_mem>>) src(%arg6 : memref<128x128xf32, #tpu.memory_space<vmem>>) dst(%dma_wait3A_23 : memref<128x128xf32, #tpu.memory_space<hbm>>)
        tpu.yield
      }) : () -> ()
    }
    %scan3A_7 = arith.constant 40 : i32
    return
  }
}

#map = affine_map<(d0, d1) -> (0, 0)>
#map1 = affine_map<(d0, d1) -> (0)>
module attributes {stable_mosaic.version = 14 : i64} {
  func.func @k(%arg0: i32, %arg1: i32, %arg2: memref<8192x128xf32, #tpu.memory_space<hbm>>, %arg3: memref<163840xi32, #tpu.memory_space<hbm>>, %arg4: memref<163840x128xf32, #tpu.memory_space<hbm>>, %arg5: memref<128xi32, #tpu.memory_space<vmem>>, %arg6: memref<128x128xf32, #tpu.memory_space<vmem>>, %arg7: memref<!tpu.dma_semaphore, #tpu.memory_space<semaphore_mem>>) attributes {dimension_semantics = [#tpu.dimension_semantics<core_parallel>, #tpu.dimension_semantics<subcore_parallel>], iteration_bounds = array<i64: 2, 16>, scalar_prefetch = 0 : i64, scratch_operands = 3 : i64, tpu.core_type = #tpu.core_type<sc_vector_subcore>, window_params = [{transform_indices = #map}, {transform_indices = #map1}, {transform_indices = #map}]} {
    %mul3A = arith.constant 2 : i32
    %mul3A_0 = arith.muli %arg1, %mul3A : i32
    %add3A = arith.addi %mul3A_0, %arg0 : i32
    %mul3A_1 = arith.constant 5120 : i32
    %mul3A_2 = arith.muli %add3A, %mul3A_1 : i32
    %scan3A = arith.constant 0 : i32
    %scan3A_3 = arith.constant 0 : i32
    %scan3A_4 = arith.constant 40 : i32
    %scan3A_5 = arith.addi %scan3A_3, %scan3A_4 : i32
    %scan3A_6 = arith.constant 1 : i32
    scf.for %scan3A_8 = %scan3A_3 to %scan3A_5 step %scan3A_6  : i32 {
      %mul3A_9 = arith.constant 128 : i32
      %mul3A_10 = arith.muli %scan3A_8, %mul3A_9 : i32
      %add3A_11 = arith.addi %mul3A_2, %mul3A_10 : i32
      "tpu.region"() ({
        %run_scoped3A = tpu.sem_alloc : memref<!tpu.dma_semaphore, #tpu.memory_space<semaphore_mem>>
        %dma_start3A_16 = tpu.memref_slice %arg3[%add3A_11] : memref<163840xi32, #tpu.memory_space<hbm>> -> memref<128xi32, #tpu.memory_space<hbm>>
        %dma_start3A_17 = tpu.memref_slice %arg3[%add3A_11] : memref<163840xi32, #tpu.memory_space<hbm>> -> memref<128xi32, #tpu.memory_space<hbm>>
        tpu.enqueue_dma source(%dma_start3A_17 : memref<128xi32, #tpu.memory_space<hbm>>) target(%arg5 : memref<128xi32, #tpu.memory_space<vmem>>) target_semaphore(%run_scoped3A : memref<!tpu.dma_semaphore, #tpu.memory_space<semaphore_mem>>)
        %dma_wait3A_18 = tpu.memref_slice %arg3[%add3A_11] : memref<163840xi32, #tpu.memory_space<hbm>> -> memref<128xi32, #tpu.memory_space<hbm>>
        %dma_wait3A_19 = tpu.memref_slice %arg3[%add3A_11] : memref<163840xi32, #tpu.memory_space<hbm>> -> memref<128xi32, #tpu.memory_space<hbm>>
        tpu.wait_dma2 semaphore(%run_scoped3A : memref<!tpu.dma_semaphore, #tpu.memory_space<semaphore_mem>>) src(%dma_wait3A_19 : memref<128xi32, #tpu.memory_space<hbm>>) dst(%arg5 : memref<128xi32, #tpu.memory_space<vmem>>)
        tpu.yield
      }) : () -> ()
      %dma_start3A = arith.constant 0 : i32
      %dma_start3A_12 = arith.constant 0 : i32
      %dma_start3A_13 = tpu.memref_slice %arg2[%dma_start3A, %dma_start3A_12] : memref<8192x128xf32, #tpu.memory_space<hbm>> -> memref<8192x128xf32, #tpu.memory_space<hbm>>
      tpu.enqueue_indirect_dma source(%dma_start3A_13 : memref<8192x128xf32, #tpu.memory_space<hbm>>) target(%arg6 : memref<128x128xf32, #tpu.memory_space<vmem>>) offsets(%arg5 : memref<128xi32, #tpu.memory_space<vmem>>) semaphore(%arg7 : memref<!tpu.dma_semaphore, #tpu.memory_space<semaphore_mem>>)
      %dma_wait3A = arith.constant 0 : i32
      %dma_wait3A_14 = arith.constant 0 : i32
      %dma_wait3A_15 = tpu.memref_slice %arg2[%dma_wait3A, %dma_wait3A_14] : memref<8192x128xf32, #tpu.memory_space<hbm>> -> memref<8192x128xf32, #tpu.memory_space<hbm>>
      tpu.wait_indirect_dma semaphore(%arg7 : memref<!tpu.dma_semaphore, #tpu.memory_space<semaphore_mem>>) src(%dma_wait3A_15 : memref<8192x128xf32, #tpu.memory_space<hbm>>) dst(%arg6 : memref<128x128xf32, #tpu.memory_space<vmem>>)
      "tpu.region"() ({
        %run_scoped3A = tpu.sem_alloc : memref<!tpu.dma_semaphore, #tpu.memory_space<semaphore_mem>>
        %dma_start3A_16 = arith.constant 0 : i32
        %dma_start3A_17 = tpu.memref_slice %arg4[%add3A_11, %dma_start3A_16] : memref<163840x128xf32, #tpu.memory_space<hbm>> -> memref<128x128xf32, #tpu.memory_space<hbm>>
        %dma_start3A_18 = arith.constant 0 : i32
        %dma_start3A_19 = tpu.memref_slice %arg4[%add3A_11, %dma_start3A_18] : memref<163840x128xf32, #tpu.memory_space<hbm>> -> memref<128x128xf32, #tpu.memory_space<hbm>>
        tpu.enqueue_dma source(%arg6 : memref<128x128xf32, #tpu.memory_space<vmem>>) target(%dma_start3A_19 : memref<128x128xf32, #tpu.memory_space<hbm>>) target_semaphore(%run_scoped3A : memref<!tpu.dma_semaphore, #tpu.memory_space<semaphore_mem>>)
        %dma_wait3A_20 = arith.constant 0 : i32
        %dma_wait3A_21 = tpu.memref_slice %arg4[%add3A_11, %dma_wait3A_20] : memref<163840x128xf32, #tpu.memory_space<hbm>> -> memref<128x128xf32, #tpu.memory_space<hbm>>
        %dma_wait3A_22 = arith.constant 0 : i32
        %dma_wait3A_23 = tpu.memref_slice %arg4[%add3A_11, %dma_wait3A_22] : memref<163840x128xf32, #tpu.memory_space<hbm>> -> memref<128x128xf32, #tpu.memory_space<hbm>>
        tpu.wait_dma2 semaphore(%run_scoped3A : memref<!tpu.dma_semaphore, #tpu.memory_space<semaphore_mem>>) src(%arg6 : memref<128x128xf32, #tpu.memory_space<vmem>>) dst(%dma_wait3A_23 : memref<128x128xf32, #tpu.memory_space<hbm>>)
        tpu.yield
      }) : () -> ()
    }
    %scan3A_7 = arith.constant 40 : i32
    return
  }
}

#map = affine_map<(d0, d1) -> (0, 0)>
#map1 = affine_map<(d0, d1) -> (0)>
module attributes {stable_mosaic.version = 14 : i64} {
  func.func @k(%arg0: i32, %arg1: i32, %arg2: memref<8192x128xf32, #tpu.memory_space<hbm>>, %arg3: memref<163840xi32, #tpu.memory_space<hbm>>, %arg4: memref<163840x128xf32, #tpu.memory_space<hbm>>, %arg5: memref<128xi32, #tpu.memory_space<vmem>>, %arg6: memref<128x128xf32, #tpu.memory_space<vmem>>, %arg7: memref<!tpu.dma_semaphore, #tpu.memory_space<semaphore_mem>>) attributes {dimension_semantics = [#tpu.dimension_semantics<core_parallel>, #tpu.dimension_semantics<subcore_parallel>], iteration_bounds = array<i64: 2, 16>, scalar_prefetch = 0 : i64, scratch_operands = 3 : i64, tpu.core_type = #tpu.core_type<sc_vector_subcore>, window_params = [{transform_indices = #map}, {transform_indices = #map1}, {transform_indices = #map}]} {
    %mul3A = arith.constant 2 : i32
    %mul3A_0 = arith.muli %arg1, %mul3A : i32
    %add3A = arith.addi %mul3A_0, %arg0 : i32
    %mul3A_1 = arith.constant 5120 : i32
    %mul3A_2 = arith.muli %add3A, %mul3A_1 : i32
    %scan3A = arith.constant 0 : i32
    %scan3A_3 = arith.constant 0 : i32
    %scan3A_4 = arith.constant 40 : i32
    %scan3A_5 = arith.addi %scan3A_3, %scan3A_4 : i32
    %scan3A_6 = arith.constant 1 : i32
    scf.for %scan3A_8 = %scan3A_3 to %scan3A_5 step %scan3A_6  : i32 {
      %mul3A_9 = arith.constant 128 : i32
      %mul3A_10 = arith.muli %scan3A_8, %mul3A_9 : i32
      %add3A_11 = arith.addi %mul3A_2, %mul3A_10 : i32
      "tpu.region"() ({
        %run_scoped3A = tpu.sem_alloc : memref<!tpu.dma_semaphore, #tpu.memory_space<semaphore_mem>>
        %dma_start3A_16 = tpu.memref_slice %arg3[%add3A_11] : memref<163840xi32, #tpu.memory_space<hbm>> -> memref<128xi32, #tpu.memory_space<hbm>>
        %dma_start3A_17 = tpu.memref_slice %arg3[%add3A_11] : memref<163840xi32, #tpu.memory_space<hbm>> -> memref<128xi32, #tpu.memory_space<hbm>>
        tpu.enqueue_dma source(%dma_start3A_17 : memref<128xi32, #tpu.memory_space<hbm>>) target(%arg5 : memref<128xi32, #tpu.memory_space<vmem>>) target_semaphore(%run_scoped3A : memref<!tpu.dma_semaphore, #tpu.memory_space<semaphore_mem>>)
        %dma_wait3A_18 = tpu.memref_slice %arg3[%add3A_11] : memref<163840xi32, #tpu.memory_space<hbm>> -> memref<128xi32, #tpu.memory_space<hbm>>
        %dma_wait3A_19 = tpu.memref_slice %arg3[%add3A_11] : memref<163840xi32, #tpu.memory_space<hbm>> -> memref<128xi32, #tpu.memory_space<hbm>>
        tpu.wait_dma2 semaphore(%run_scoped3A : memref<!tpu.dma_semaphore, #tpu.memory_space<semaphore_mem>>) src(%dma_wait3A_19 : memref<128xi32, #tpu.memory_space<hbm>>) dst(%arg5 : memref<128xi32, #tpu.memory_space<vmem>>)
        tpu.yield
      }) : () -> ()
      %dma_start3A = arith.constant 0 : i32
      %dma_start3A_12 = arith.constant 0 : i32
      %dma_start3A_13 = tpu.memref_slice %arg2[%dma_start3A, %dma_start3A_12] : memref<8192x128xf32, #tpu.memory_space<hbm>> -> memref<8192x128xf32, #tpu.memory_space<hbm>>
      tpu.enqueue_indirect_dma source(%dma_start3A_13 : memref<8192x128xf32, #tpu.memory_space<hbm>>) target(%arg6 : memref<128x128xf32, #tpu.memory_space<vmem>>) offsets(%arg5 : memref<128xi32, #tpu.memory_space<vmem>>) semaphore(%arg7 : memref<!tpu.dma_semaphore, #tpu.memory_space<semaphore_mem>>)
      %dma_wait3A = arith.constant 0 : i32
      %dma_wait3A_14 = arith.constant 0 : i32
      %dma_wait3A_15 = tpu.memref_slice %arg2[%dma_wait3A, %dma_wait3A_14] : memref<8192x128xf32, #tpu.memory_space<hbm>> -> memref<8192x128xf32, #tpu.memory_space<hbm>>
      tpu.wait_indirect_dma semaphore(%arg7 : memref<!tpu.dma_semaphore, #tpu.memory_space<semaphore_mem>>) src(%dma_wait3A_15 : memref<8192x128xf32, #tpu.memory_space<hbm>>) dst(%arg6 : memref<128x128xf32, #tpu.memory_space<vmem>>)
      "tpu.region"() ({
        %run_scoped3A = tpu.sem_alloc : memref<!tpu.dma_semaphore, #tpu.memory_space<semaphore_mem>>
        %dma_start3A_16 = arith.constant 0 : i32
        %dma_start3A_17 = tpu.memref_slice %arg4[%add3A_11, %dma_start3A_16] : memref<163840x128xf32, #tpu.memory_space<hbm>> -> memref<128x128xf32, #tpu.memory_space<hbm>>
        %dma_start3A_18 = arith.constant 0 : i32
        %dma_start3A_19 = tpu.memref_slice %arg4[%add3A_11, %dma_start3A_18] : memref<163840x128xf32, #tpu.memory_space<hbm>> -> memref<128x128xf32, #tpu.memory_space<hbm>>
        tpu.enqueue_dma source(%arg6 : memref<128x128xf32, #tpu.memory_space<vmem>>) target(%dma_start3A_19 : memref<128x128xf32, #tpu.memory_space<hbm>>) target_semaphore(%run_scoped3A : memref<!tpu.dma_semaphore, #tpu.memory_space<semaphore_mem>>)
        %dma_wait3A_20 = arith.constant 0 : i32
        %dma_wait3A_21 = tpu.memref_slice %arg4[%add3A_11, %dma_wait3A_20] : memref<163840x128xf32, #tpu.memory_space<hbm>> -> memref<128x128xf32, #tpu.memory_space<hbm>>
        %dma_wait3A_22 = arith.constant 0 : i32
        %dma_wait3A_23 = tpu.memref_slice %arg4[%add3A_11, %dma_wait3A_22] : memref<163840x128xf32, #tpu.memory_space<hbm>> -> memref<128x128xf32, #tpu.memory_space<hbm>>
        tpu.wait_dma2 semaphore(%run_scoped3A : memref<!tpu.dma_semaphore, #tpu.memory_space<semaphore_mem>>) src(%arg6 : memref<128x128xf32, #tpu.memory_space<vmem>>) dst(%dma_wait3A_23 : memref<128x128xf32, #tpu.memory_space<hbm>>)
        tpu.yield
      }) : () -> ()
    }
    %scan3A_7 = arith.constant 40 : i32
    return
  }
}

module attributes {stable_mosaic.version = 14 : i64} {
  func.func @_knn_body(%arg0: i32, %arg1: i32, %arg2: memref<1x2048x128xf32, #tpu.memory_space<vmem>>, %arg3: memref<1x256x128xf32, #tpu.memory_space<vmem>>, %arg4: memref<1x1x2048xf32, #tpu.memory_space<vmem>>, %arg5: memref<1x256x128xf32, #tpu.memory_space<vmem>>, %arg6: memref<1x20x256xi32, #tpu.memory_space<vmem>>, %arg7: memref<1x256x128xf32, #tpu.memory_space<vmem>>, %arg8: memref<256x2048xf32, #tpu.memory_space<vmem>>) attributes {dimension_semantics = [#tpu.dimension_semantics<arbitrary>, #tpu.dimension_semantics<arbitrary>], iteration_bounds = array<i64: 4, 8>, scalar_prefetch = 0 : i64, scratch_operands = 1 : i64, tpu.core_type = #tpu.core_type<tc>, window_params = [{transform_indices = @transform_0, window_bounds = array<i64: 1, 2048, 128>}, {transform_indices = @transform_1, window_bounds = array<i64: 1, 256, 128>}, {transform_indices = @transform_2, window_bounds = array<i64: 1, 1, 2048>}, {transform_indices = @transform_3, window_bounds = array<i64: 1, 256, 128>}, {transform_indices = @transform_4, window_bounds = array<i64: 1, 20, 256>}, {transform_indices = @transform_5, window_bounds = array<i64: 1, 256, 128>}]} {
    %get3A = arith.constant 0 : index
    %get3A_0 = arith.constant 0 : index
    %get3A_1 = arith.constant 0 : index
    %get3A_2 = vector.load %arg2[%get3A, %get3A_0, %get3A_1] : memref<1x2048x128xf32, #tpu.memory_space<vmem>>, vector<1x2048x128xf32>
    %get3A_3 = vector.shape_cast %get3A_2 : vector<1x2048x128xf32> to vector<2048x128xf32>
    %get3A_4 = arith.constant 0 : index
    %get3A_5 = arith.constant 0 : index
    %get3A_6 = arith.constant 0 : index
    %get3A_7 = vector.load %arg3[%get3A_4, %get3A_5, %get3A_6] : memref<1x256x128xf32, #tpu.memory_space<vmem>>, vector<1x256x128xf32>
    %get3A_8 = vector.shape_cast %get3A_7 : vector<1x256x128xf32> to vector<256x128xf32>
    %slice3A = vector.extract_strided_slice %get3A_8 {offsets = [0, 0], sizes = [256, 64], strides = [1, 1]} : vector<256x128xf32> to vector<256x64xf32>
    %slice3A_9 = vector.extract_strided_slice %get3A_8 {offsets = [0, 0], sizes = [256, 64], strides = [1, 1]} : vector<256x128xf32> to vector<256x64xf32>
    %neg3A = arith.constant 0.000000e+00 : f32
    %neg3A_10 = vector.broadcast %neg3A : f32 to vector<256x64xf32>
    %neg3A_11 = arith.subf %neg3A_10, %slice3A_9 : vector<256x64xf32>
    %concatenate3A = tpu.concatenate %slice3A, %neg3A_11 in 1 : vector<256x64xf32>, vector<256x64xf32> -> vector<256x128xf32>
    %swap3A = arith.constant 0 : index
    %swap3A_12 = arith.constant 0 : index
    %swap3A_13 = arith.constant 0 : index
    %swap3A_14 = vector.load %arg7[%swap3A, %swap3A_12, %swap3A_13] : memref<1x256x128xf32, #tpu.memory_space<vmem>>, vector<1x256x128xf32>
    %swap3A_15 = vector.shape_cast %swap3A_14 : vector<1x256x128xf32> to vector<256x128xf32>
    %swap3A_16 = vector.shape_cast %concatenate3A : vector<256x128xf32> to vector<1x256x128xf32>
    tpu.vector_store %arg7[%swap3A, %swap3A_12, %swap3A_13], %swap3A_16 {strides = array<i32>} : memref<1x256x128xf32, #tpu.memory_space<vmem>>, vector<1x256x128xf32>,
    %dot_general3A = arith.constant dense<0.000000e+00> : vector<256x2048xf32>
    %dot_general3A_17 = tpu.matmul %get3A_8, %get3A_3, %dot_general3A {dimension_numbers = #tpu.dot_dimension_numbers<[1], [1], [0], [0], [0, 0, 1, 0], [], []>, transpose_lhs_hint = false} : vector<256x128xf32>, vector<2048x128xf32>, vector<256x2048xf32> -> vector<256x2048xf32>
    %mul3A = arith.constant -2.000000e+00 : f32
    %mul3A_18 = vector.broadcast %mul3A : f32 to vector<256x2048xf32>
    %mul3A_19 = arith.mulf %mul3A_18, %dot_general3A_17 : vector<256x2048xf32>
    %get3A_20 = arith.constant 0 : index
    %get3A_21 = arith.constant 0 : index
    %get3A_22 = arith.constant 0 : index
    %get3A_23 = vector.load %arg5[%get3A_20, %get3A_21, %get3A_22] : memref<1x256x128xf32, #tpu.memory_space<vmem>>, vector<1x256x128xf32>
    %get3A_24 = vector.shape_cast %get3A_23 : vector<1x256x128xf32> to vector<256x128xf32>
    %slice3A_25 = vector.extract_strided_slice %get3A_24 {offsets = [0, 0], sizes = [256, 1], strides = [1, 1]} : vector<256x128xf32> to vector<256x1xf32>
    %get3A_26 = arith.constant 0 : index
    %get3A_27 = arith.constant 0 : index
    %get3A_28 = arith.constant 0 : index
    %get3A_29 = vector.load %arg4[%get3A_26, %get3A_27, %get3A_28] : memref<1x1x2048xf32, #tpu.memory_space<vmem>>, vector<1x1x2048xf32>
    %get3A_30 = vector.shape_cast %get3A_29 : vector<1x1x2048xf32> to vector<2048xf32>
    %neg3A_31 = arith.constant 0.000000e+00 : f32
    %neg3A_32 = vector.broadcast %neg3A_31 : f32 to vector<256x1xf32>
    %neg3A_33 = arith.subf %neg3A_32, %slice3A_25 : vector<256x1xf32>
    %sub3A = vector.broadcast %neg3A_33 : vector<256x1xf32> to vector<256x2048xf32>
    %sub3A_34 = arith.subf %sub3A, %mul3A_19 : vector<256x2048xf32>
    %broadcast_in_dim3A = vector.shape_cast %get3A_30 : vector<2048xf32> to vector<1x2048xf32>
    %sub3A_35 = vector.broadcast %broadcast_in_dim3A : vector<1x2048xf32> to vector<256x2048xf32>
    %sub3A_36 = arith.subf %sub3A_34, %sub3A_35 : vector<256x2048xf32>
    %swap3A_37 = arith.constant 0 : index
    %swap3A_38 = arith.constant 0 : index
    %swap3A_39 = vector.load %arg8[%swap3A_37, %swap3A_38] : memref<256x2048xf32, #tpu.memory_space<vmem>>, vector<256x2048xf32>
    tpu.vector_store %arg8[%swap3A_37, %swap3A_38], %sub3A_36 {strides = array<i32>} : memref<256x2048xf32, #tpu.memory_space<vmem>>, vector<256x2048xf32>,
    %iota3A = tpu.iota {dimensions = array<i32: 1>} : vector<256x2048xi32>
    %mul3A_40 = arith.constant 2048 : i32
    %mul3A_41 = arith.muli %arg0, %mul3A_40 : i32
    %scan3A = arith.constant 0 : i32
    %scan3A_42 = arith.constant 20 : i32
    %scan3A_43 = arith.addi %scan3A, %scan3A_42 : i32
    %scan3A_44 = arith.constant 1 : i32
    scf.for %scan3A_46 = %scan3A to %scan3A_43 step %scan3A_44  : i32 {
      %get3A_47 = arith.constant 0 : index
      %get3A_48 = arith.constant 0 : index
      %get3A_49 = vector.load %arg8[%get3A_47, %get3A_48] : memref<256x2048xf32, #tpu.memory_space<vmem>>, vector<256x2048xf32>
      %reduce_max3A = arith.constant dense<0xFF800000> : vector<256xf32>
      %reduce_max3A_50 = vector.multi_reduction <maximumf>, %get3A_49, %reduce_max3A [1] : vector<256x2048xf32> to vector<256xf32>
      %broadcast_in_dim3A_51 = vector.shape_cast %reduce_max3A_50 : vector<256xf32> to vector<256x1xf32>
      %eq3A = vector.broadcast %broadcast_in_dim3A_51 : vector<256x1xf32> to vector<256x2048xf32>
      %eq3A_52 = arith.cmpf oeq, %get3A_49, %eq3A : vector<256x2048xf32>
      %jit3A = arith.constant 2048 : i32
      %broadcast_in_dim3A_53 = vector.broadcast %jit3A : i32 to vector<256x2048xi32>
      %select_n3A = arith.select %eq3A_52, %iota3A, %broadcast_in_dim3A_53 : vector<256x2048xi1>, vector<256x2048xi32>
      %reduce_min3A = arith.constant dense<2147483647> : vector<256xi32>
      %reduce_min3A_54 = vector.multi_reduction <minsi>, %select_n3A, %reduce_min3A [1] : vector<256x2048xi32> to vector<256xi32>
      %add3A = vector.broadcast %mul3A_41 : i32 to vector<256xi32>
      %add3A_55 = arith.addi %reduce_min3A_54, %add3A : vector<256xi32>
      %broadcast_in_dim3A_56 = vector.shape_cast %add3A_55 : vector<256xi32> to vector<1x256xi32>
      %swap3A_57 = arith.constant 0 : index
      %swap3A_58 = arith.index_cast %scan3A_46 : i32 to index
      %swap3A_59 = arith.constant 0 : index
      %swap3A_60 = vector.load %arg6[%swap3A_57, %swap3A_58, %swap3A_59] : memref<1x20x256xi32, #tpu.memory_space<vmem>>, vector<1x1x256xi32>
      %swap3A_61 = vector.shape_cast %swap3A_60 : vector<1x1x256xi32> to vector<1x256xi32>
      %swap3A_62 = vector.shape_cast %broadcast_in_dim3A_56 : vector<1x256xi32> to vector<1x1x256xi32>
      tpu.vector_store %arg6[%swap3A_57, %swap3A_58, %swap3A_59], %swap3A_62 {strides = array<i32>} : memref<1x20x256xi32, #tpu.memory_space<vmem>>, vector<1x1x256xi32>,
      %broadcast_in_dim3A_63 = vector.shape_cast %reduce_min3A_54 : vector<256xi32> to vector<256x1xi32>
      %eq3A_64 = vector.broadcast %broadcast_in_dim3A_63 : vector<256x1xi32> to vector<256x2048xi32>
      %eq3A_65 = arith.cmpi eq, %iota3A, %eq3A_64 : vector<256x2048xi32>
      %jit3A_66 = arith.constant 0xFF800000 : f32
      %broadcast_in_dim3A_67 = vector.broadcast %jit3A_66 : f32 to vector<256x2048xf32>
      %select_n3A_68 = arith.select %eq3A_65, %broadcast_in_dim3A_67, %get3A_49 : vector<256x2048xi1>, vector<256x2048xf32>
      %swap3A_69 = arith.constant 0 : index
      %swap3A_70 = arith.constant 0 : index
      %swap3A_71 = vector.load %arg8[%swap3A_69, %swap3A_70] : memref<256x2048xf32, #tpu.memory_space<vmem>>, vector<256x2048xf32>
      tpu.vector_store %arg8[%swap3A_69, %swap3A_70], %select_n3A_68 {strides = array<i32>} : memref<256x2048xf32, #tpu.memory_space<vmem>>, vector<256x2048xf32>,
    }
    %scan3A_45 = arith.constant 20 : i32
    return
  }
  func.func @transform_0(%arg0: i32, %arg1: i32) -> (i32, i32, i32) {
    %c0_i32 = arith.constant 0 : i32
    %c0_i32_0 = arith.constant 0 : i32
    %c0_i32_1 = arith.constant 0 : i32
    return %arg0, %c0_i32, %c0_i32_0 : i32, i32, i32
  }
  func.func @transform_1(%arg0: i32, %arg1: i32) -> (i32, i32, i32) {
    %c0_i32 = arith.constant 0 : i32
    %c0_i32_0 = arith.constant 0 : i32
    return %arg0, %arg1, %c0_i32 : i32, i32, i32
  }
  func.func @transform_2(%arg0: i32, %arg1: i32) -> (i32, i32, i32) {
    %c0_i32 = arith.constant 0 : i32
    %c0_i32_0 = arith.constant 0 : i32
    %c0_i32_1 = arith.constant 0 : i32
    return %arg0, %c0_i32, %c0_i32_0 : i32, i32, i32
  }
  func.func @transform_3(%arg0: i32, %arg1: i32) -> (i32, i32, i32) {
    %c0_i32 = arith.constant 0 : i32
    %c0_i32_0 = arith.constant 0 : i32
    return %arg0, %arg1, %c0_i32 : i32, i32, i32
  }
  func.func @transform_4(%arg0: i32, %arg1: i32) -> (i32, i32, i32) {
    %c0_i32 = arith.constant 0 : i32
    %c0_i32_0 = arith.constant 0 : i32
    return %arg0, %c0_i32, %arg1 : i32, i32, i32
  }
  func.func @transform_5(%arg0: i32, %arg1: i32) -> (i32, i32, i32) {
    %c0_i32 = arith.constant 0 : i32
    %c0_i32_0 = arith.constant 0 : i32
    return %arg0, %arg1, %c0_i32 : i32, i32, i32
  }
}

module attributes {stable_mosaic.version = 14 : i64} {
  func.func @_conv1_body(%arg0: i32, %arg1: i32, %arg2: memref<1x1x2048x128xf32, #tpu.memory_space<vmem>>, %arg3: memref<1x2048x128xf32, #tpu.memory_space<vmem>>, %arg4: memref<128x64xf32, #tpu.memory_space<vmem>>, %arg5: memref<1x1x2048x64xf32, #tpu.memory_space<vmem>>) attributes {dimension_semantics = [#tpu.dimension_semantics<arbitrary>, #tpu.dimension_semantics<arbitrary>], iteration_bounds = array<i64: 4, 20>, scalar_prefetch = 0 : i64, scratch_operands = 0 : i64, tpu.core_type = #tpu.core_type<tc>, window_params = [{transform_indices = @transform_0, window_bounds = array<i64: 1, 1, 2048, 128>}, {transform_indices = @transform_1, window_bounds = array<i64: 1, 2048, 128>}, {pipeline_mode = #tpu.pipeline_mode<synchronous>, transform_indices = @transform_2, window_bounds = array<i64: 128, 64>}, {transform_indices = @transform_3, window_bounds = array<i64: 1, 1, 2048, 64>}]} {
    %get3A = arith.constant 0 : index
    %get3A_0 = arith.constant 0 : index
    %get3A_1 = arith.constant 0 : index
    %get3A_2 = arith.constant 0 : index
    %get3A_3 = vector.load %arg2[%get3A, %get3A_0, %get3A_1, %get3A_2] : memref<1x1x2048x128xf32, #tpu.memory_space<vmem>>, vector<1x1x2048x128xf32>
    %get3A_4 = vector.shape_cast %get3A_3 : vector<1x1x2048x128xf32> to vector<2048x128xf32>
    %get3A_5 = arith.constant 0 : index
    %get3A_6 = arith.constant 0 : index
    %get3A_7 = arith.constant 0 : index
    %get3A_8 = vector.load %arg3[%get3A_5, %get3A_6, %get3A_7] : memref<1x2048x128xf32, #tpu.memory_space<vmem>>, vector<1x2048x128xf32>
    %get3A_9 = vector.shape_cast %get3A_8 : vector<1x2048x128xf32> to vector<2048x128xf32>
    %sub3A = arith.subf %get3A_4, %get3A_9 : vector<2048x128xf32>
    %get3A_10 = arith.constant 0 : index
    %get3A_11 = arith.constant 0 : index
    %get3A_12 = vector.load %arg4[%get3A_10, %get3A_11] : memref<128x64xf32, #tpu.memory_space<vmem>>, vector<128x64xf32>
    %dot_general3A = arith.constant dense<0.000000e+00> : vector<2048x64xf32>
    %dot_general3A_13 = tpu.matmul %sub3A, %get3A_12, %dot_general3A {dimension_numbers = #tpu.dot_dimension_numbers<[1], [0], [0], [1], [0, 0, 1, 1], [], []>, transpose_lhs_hint = false} : vector<2048x128xf32>, vector<128x64xf32>, vector<2048x64xf32> -> vector<2048x64xf32>
    %swap3A = arith.constant 0 : index
    %swap3A_14 = arith.constant 0 : index
    %swap3A_15 = arith.constant 0 : index
    %swap3A_16 = arith.constant 0 : index
    %swap3A_17 = vector.load %arg5[%swap3A, %swap3A_14, %swap3A_15, %swap3A_16] : memref<1x1x2048x64xf32, #tpu.memory_space<vmem>>, vector<1x1x2048x64xf32>
    %swap3A_18 = vector.shape_cast %swap3A_17 : vector<1x1x2048x64xf32> to vector<2048x64xf32>
    %swap3A_19 = vector.shape_cast %dot_general3A_13 : vector<2048x64xf32> to vector<1x1x2048x64xf32>
    tpu.vector_store %arg5[%swap3A, %swap3A_14, %swap3A_15, %swap3A_16], %swap3A_19 {strides = array<i32>} : memref<1x1x2048x64xf32, #tpu.memory_space<vmem>>, vector<1x1x2048x64xf32>,
    return
  }
  func.func @transform_0(%arg0: i32, %arg1: i32) -> (i32, i32, i32, i32) {
    %c0_i32 = arith.constant 0 : i32
    %c0_i32_0 = arith.constant 0 : i32
    %c0_i32_1 = arith.constant 0 : i32
    return %arg0, %arg1, %c0_i32, %c0_i32_0 : i32, i32, i32, i32
  }
  func.func @transform_1(%arg0: i32, %arg1: i32) -> (i32, i32, i32) {
    %c0_i32 = arith.constant 0 : i32
    %c0_i32_0 = arith.constant 0 : i32
    %c0_i32_1 = arith.constant 0 : i32
    return %arg0, %c0_i32, %c0_i32_0 : i32, i32, i32
  }
  func.func @transform_2(%arg0: i32, %arg1: i32) -> (i32, i32) {
    %c0_i32 = arith.constant 0 : i32
    %c0_i32_0 = arith.constant 0 : i32
    %c0_i32_1 = arith.constant 0 : i32
    return %c0_i32, %c0_i32_0 : i32, i32
  }
  func.func @transform_3(%arg0: i32, %arg1: i32) -> (i32, i32, i32, i32) {
    %c0_i32 = arith.constant 0 : i32
    %c0_i32_0 = arith.constant 0 : i32
    %c0_i32_1 = arith.constant 0 : i32
    return %arg0, %arg1, %c0_i32, %c0_i32_0 : i32, i32, i32, i32
  }
}

module attributes {stable_mosaic.version = 14 : i64} {
  func.func @_mean_body(%arg0: i32, %arg1: i32, %arg2: memref<1x64x256x20xf32, #tpu.memory_space<vmem>>, %arg3: memref<8x64xf32, #tpu.memory_space<vmem>>, %arg4: memref<64x8x20xf32, #tpu.memory_space<vmem>>) attributes {dimension_semantics = [#tpu.dimension_semantics<arbitrary>, #tpu.dimension_semantics<arbitrary>], iteration_bounds = array<i64: 4, 8>, scalar_prefetch = 0 : i64, scratch_operands = 1 : i64, tpu.core_type = #tpu.core_type<tc>, window_params = [{transform_indices = @transform_0, window_bounds = array<i64: 1, 64, 256, 20>}, {pipeline_mode = #tpu.pipeline_mode<synchronous>, transform_indices = @transform_1, window_bounds = array<i64: 8, 64>}]} {
    %eq3A = arith.constant 0 : i32
    %eq3A_0 = arith.cmpi eq, %arg0, %eq3A : i32
    %eq3A_1 = arith.constant 0 : i32
    %eq3A_2 = arith.cmpi eq, %arg1, %eq3A_1 : i32
    %and3A = arith.andi %eq3A_0, %eq3A_2 : i1
    %eq3A_3 = arith.constant 3 : i32
    %eq3A_4 = arith.cmpi eq, %arg0, %eq3A_3 : i32
    %eq3A_5 = arith.constant 7 : i32
    %eq3A_6 = arith.cmpi eq, %arg1, %eq3A_5 : i32
    %and3A_7 = arith.andi %eq3A_4, %eq3A_6 : i1
    %get3A = arith.constant 0 : index
    %get3A_8 = arith.constant 0 : index
    %get3A_9 = arith.constant 0 : index
    %get3A_10 = arith.constant 0 : index
    %get3A_11 = vector.load %arg2[%get3A, %get3A_8, %get3A_9, %get3A_10] : memref<1x64x256x20xf32, #tpu.memory_space<vmem>>, vector<1x64x256x20xf32>
    %get3A_12 = vector.shape_cast %get3A_11 : vector<1x64x256x20xf32> to vector<64x256x20xf32>
    %convert_element_type3A = arith.extui %and3A : i1 to i32
    %cond3A = arith.constant 0 : i32
    %cond3A_13 = arith.cmpi ne, %convert_element_type3A, %cond3A : i32
    scf.if %cond3A_13 {
      %broadcast_in_dim3A = arith.constant 0.000000e+00 : f32
      %broadcast_in_dim3A_25 = vector.broadcast %broadcast_in_dim3A : f32 to vector<64x8x20xf32>
      %swap3A_26 = arith.constant 0 : index
      %swap3A_27 = arith.constant 0 : index
      %swap3A_28 = arith.constant 0 : index
      %swap3A_29 = vector.load %arg4[%swap3A_26, %swap3A_27, %swap3A_28] : memref<64x8x20xf32, #tpu.memory_space<vmem>>, vector<64x8x20xf32>
      tpu.vector_store %arg4[%swap3A_26, %swap3A_27, %swap3A_28], %broadcast_in_dim3A_25 {strides = array<i32>} : memref<64x8x20xf32, #tpu.memory_space<vmem>>, vector<64x8x20xf32>,
    } else {
    }
    %get3A_14 = arith.constant 0 : index
    %get3A_15 = arith.constant 0 : index
    %get3A_16 = arith.constant 0 : index
    %get3A_17 = vector.load %arg4[%get3A_14, %get3A_15, %get3A_16] : memref<64x8x20xf32, #tpu.memory_space<vmem>>, vector<64x8x20xf32>
    %reshape3A = vector.shape_cast %get3A_12 : vector<64x256x20xf32> to vector<64x32x8x20xf32>
    %reduce_sum3A = arith.constant dense<0.000000e+00> : vector<64x8x20xf32>
    %reduce_sum3A_18 = vector.multi_reduction <add>, %reshape3A, %reduce_sum3A [1] : vector<64x32x8x20xf32> to vector<64x8x20xf32>
    %add3A = arith.addf %get3A_17, %reduce_sum3A_18 : vector<64x8x20xf32>
    %swap3A = arith.constant 0 : index
    %swap3A_19 = arith.constant 0 : index
    %swap3A_20 = arith.constant 0 : index
    %swap3A_21 = vector.load %arg4[%swap3A, %swap3A_19, %swap3A_20] : memref<64x8x20xf32, #tpu.memory_space<vmem>>, vector<64x8x20xf32>
    tpu.vector_store %arg4[%swap3A, %swap3A_19, %swap3A_20], %add3A {strides = array<i32>} : memref<64x8x20xf32, #tpu.memory_space<vmem>>, vector<64x8x20xf32>,
    %convert_element_type3A_22 = arith.extui %and3A_7 : i1 to i32
    %cond3A_23 = arith.constant 0 : i32
    %cond3A_24 = arith.cmpi ne, %convert_element_type3A_22, %cond3A_23 : i32
    scf.if %cond3A_24 {
      %get3A_25 = arith.constant 0 : index
      %get3A_26 = arith.constant 0 : index
      %get3A_27 = arith.constant 0 : index
      %get3A_28 = vector.load %arg4[%get3A_25, %get3A_26, %get3A_27] : memref<64x8x20xf32, #tpu.memory_space<vmem>>, vector<64x8x20xf32>
      %reduce_sum3A_29 = arith.constant dense<0.000000e+00> : vector<64xf32>
      %reduce_sum3A_30 = vector.multi_reduction <add>, %get3A_28, %reduce_sum3A_29 [1, 2] : vector<64x8x20xf32> to vector<64xf32>
      %div3A = arith.constant 1.638400e+05 : f32
      %div3A_31 = vector.broadcast %div3A : f32 to vector<64xf32>
      %div3A_32 = arith.divf %reduce_sum3A_30, %div3A_31 : vector<64xf32>
      %broadcast_in_dim3A = vector.shape_cast %div3A_32 : vector<64xf32> to vector<1x64xf32>
      %broadcast_in_dim3A_33 = vector.shape_cast %broadcast_in_dim3A : vector<1x64xf32> to vector<1x64xf32>
      %broadcast_in_dim3A_34 = vector.broadcast %broadcast_in_dim3A_33 : vector<1x64xf32> to vector<8x64xf32>
      %swap3A_35 = arith.constant 0 : index
      %swap3A_36 = arith.constant 0 : index
      %swap3A_37 = vector.load %arg3[%swap3A_35, %swap3A_36] : memref<8x64xf32, #tpu.memory_space<vmem>>, vector<8x64xf32>
      tpu.vector_store %arg3[%swap3A_35, %swap3A_36], %broadcast_in_dim3A_34 {strides = array<i32>} : memref<8x64xf32, #tpu.memory_space<vmem>>, vector<8x64xf32>,
    } else {
    }
    return
  }
  func.func @transform_0(%arg0: i32, %arg1: i32) -> (i32, i32, i32, i32) {
    %c0_i32 = arith.constant 0 : i32
    %c0_i32_0 = arith.constant 0 : i32
    %c0_i32_1 = arith.constant 0 : i32
    return %arg0, %c0_i32, %arg1, %c0_i32_0 : i32, i32, i32, i32
  }
  func.func @transform_1(%arg0: i32, %arg1: i32) -> (i32, i32) {
    %c0_i32 = arith.constant 0 : i32
    %c0_i32_0 = arith.constant 0 : i32
    %c0_i32_1 = arith.constant 0 : i32
    return %c0_i32, %c0_i32_0 : i32, i32
  }
}

module attributes {stable_mosaic.version = 14 : i64} {
  func.func @_var_body(%arg0: i32, %arg1: i32, %arg2: memref<1x64x256x20xf32, #tpu.memory_space<vmem>>, %arg3: memref<64x256x20xf32, #tpu.memory_space<vmem>>, %arg4: memref<8x64xf32, #tpu.memory_space<vmem>>, %arg5: memref<64x8x20xf32, #tpu.memory_space<vmem>>) attributes {dimension_semantics = [#tpu.dimension_semantics<arbitrary>, #tpu.dimension_semantics<arbitrary>], iteration_bounds = array<i64: 4, 8>, scalar_prefetch = 0 : i64, scratch_operands = 1 : i64, tpu.core_type = #tpu.core_type<tc>, window_params = [{transform_indices = @transform_0, window_bounds = array<i64: 1, 64, 256, 20>}, {pipeline_mode = #tpu.pipeline_mode<synchronous>, transform_indices = @transform_1, window_bounds = array<i64: 64, 256, 20>}, {pipeline_mode = #tpu.pipeline_mode<synchronous>, transform_indices = @transform_2, window_bounds = array<i64: 8, 64>}]} {
    %eq3A = arith.constant 0 : i32
    %eq3A_0 = arith.cmpi eq, %arg0, %eq3A : i32
    %eq3A_1 = arith.constant 0 : i32
    %eq3A_2 = arith.cmpi eq, %arg1, %eq3A_1 : i32
    %and3A = arith.andi %eq3A_0, %eq3A_2 : i1
    %eq3A_3 = arith.constant 3 : i32
    %eq3A_4 = arith.cmpi eq, %arg0, %eq3A_3 : i32
    %eq3A_5 = arith.constant 7 : i32
    %eq3A_6 = arith.cmpi eq, %arg1, %eq3A_5 : i32
    %and3A_7 = arith.andi %eq3A_4, %eq3A_6 : i1
    %get3A = arith.constant 0 : index
    %get3A_8 = arith.constant 0 : index
    %get3A_9 = arith.constant 0 : index
    %get3A_10 = arith.constant 0 : index
    %get3A_11 = vector.load %arg2[%get3A, %get3A_8, %get3A_9, %get3A_10] : memref<1x64x256x20xf32, #tpu.memory_space<vmem>>, vector<1x64x256x20xf32>
    %get3A_12 = vector.shape_cast %get3A_11 : vector<1x64x256x20xf32> to vector<64x256x20xf32>
    %get3A_13 = arith.constant 0 : index
    %get3A_14 = arith.constant 0 : index
    %get3A_15 = arith.constant 0 : index
    %get3A_16 = vector.load %arg3[%get3A_13, %get3A_14, %get3A_15] : memref<64x256x20xf32, #tpu.memory_space<vmem>>, vector<64x256x20xf32>
    %sub3A = arith.subf %get3A_12, %get3A_16 : vector<64x256x20xf32>
    %mul3A = arith.mulf %sub3A, %sub3A : vector<64x256x20xf32>
    %convert_element_type3A = arith.extui %and3A : i1 to i32
    %cond3A = arith.constant 0 : i32
    %cond3A_17 = arith.cmpi ne, %convert_element_type3A, %cond3A : i32
    scf.if %cond3A_17 {
      %broadcast_in_dim3A = arith.constant 0.000000e+00 : f32
      %broadcast_in_dim3A_29 = vector.broadcast %broadcast_in_dim3A : f32 to vector<64x8x20xf32>
      %swap3A_30 = arith.constant 0 : index
      %swap3A_31 = arith.constant 0 : index
      %swap3A_32 = arith.constant 0 : index
      %swap3A_33 = vector.load %arg5[%swap3A_30, %swap3A_31, %swap3A_32] : memref<64x8x20xf32, #tpu.memory_space<vmem>>, vector<64x8x20xf32>
      tpu.vector_store %arg5[%swap3A_30, %swap3A_31, %swap3A_32], %broadcast_in_dim3A_29 {strides = array<i32>} : memref<64x8x20xf32, #tpu.memory_space<vmem>>, vector<64x8x20xf32>,
    } else {
    }
    %get3A_18 = arith.constant 0 : index
    %get3A_19 = arith.constant 0 : index
    %get3A_20 = arith.constant 0 : index
    %get3A_21 = vector.load %arg5[%get3A_18, %get3A_19, %get3A_20] : memref<64x8x20xf32, #tpu.memory_space<vmem>>, vector<64x8x20xf32>
    %reshape3A = vector.shape_cast %mul3A : vector<64x256x20xf32> to vector<64x32x8x20xf32>
    %reduce_sum3A = arith.constant dense<0.000000e+00> : vector<64x8x20xf32>
    %reduce_sum3A_22 = vector.multi_reduction <add>, %reshape3A, %reduce_sum3A [1] : vector<64x32x8x20xf32> to vector<64x8x20xf32>
    %add3A = arith.addf %get3A_21, %reduce_sum3A_22 : vector<64x8x20xf32>
    %swap3A = arith.constant 0 : index
    %swap3A_23 = arith.constant 0 : index
    %swap3A_24 = arith.constant 0 : index
    %swap3A_25 = vector.load %arg5[%swap3A, %swap3A_23, %swap3A_24] : memref<64x8x20xf32, #tpu.memory_space<vmem>>, vector<64x8x20xf32>
    tpu.vector_store %arg5[%swap3A, %swap3A_23, %swap3A_24], %add3A {strides = array<i32>} : memref<64x8x20xf32, #tpu.memory_space<vmem>>, vector<64x8x20xf32>,
    %convert_element_type3A_26 = arith.extui %and3A_7 : i1 to i32
    %cond3A_27 = arith.constant 0 : i32
    %cond3A_28 = arith.cmpi ne, %convert_element_type3A_26, %cond3A_27 : i32
    scf.if %cond3A_28 {
      %get3A_29 = arith.constant 0 : index
      %get3A_30 = arith.constant 0 : index
      %get3A_31 = arith.constant 0 : index
      %get3A_32 = vector.load %arg5[%get3A_29, %get3A_30, %get3A_31] : memref<64x8x20xf32, #tpu.memory_space<vmem>>, vector<64x8x20xf32>
      %reduce_sum3A_33 = arith.constant dense<0.000000e+00> : vector<64xf32>
      %reduce_sum3A_34 = vector.multi_reduction <add>, %get3A_32, %reduce_sum3A_33 [1, 2] : vector<64x8x20xf32> to vector<64xf32>
      %div3A = arith.constant 1.638400e+05 : f32
      %div3A_35 = vector.broadcast %div3A : f32 to vector<64xf32>
      %div3A_36 = arith.divf %reduce_sum3A_34, %div3A_35 : vector<64xf32>
      %broadcast_in_dim3A = vector.shape_cast %div3A_36 : vector<64xf32> to vector<1x64xf32>
      %broadcast_in_dim3A_37 = vector.shape_cast %broadcast_in_dim3A : vector<1x64xf32> to vector<1x64xf32>
      %broadcast_in_dim3A_38 = vector.broadcast %broadcast_in_dim3A_37 : vector<1x64xf32> to vector<8x64xf32>
      %swap3A_39 = arith.constant 0 : index
      %swap3A_40 = arith.constant 0 : index
      %swap3A_41 = vector.load %arg4[%swap3A_39, %swap3A_40] : memref<8x64xf32, #tpu.memory_space<vmem>>, vector<8x64xf32>
      tpu.vector_store %arg4[%swap3A_39, %swap3A_40], %broadcast_in_dim3A_38 {strides = array<i32>} : memref<8x64xf32, #tpu.memory_space<vmem>>, vector<8x64xf32>,
    } else {
    }
    return
  }
  func.func @transform_0(%arg0: i32, %arg1: i32) -> (i32, i32, i32, i32) {
    %c0_i32 = arith.constant 0 : i32
    %c0_i32_0 = arith.constant 0 : i32
    %c0_i32_1 = arith.constant 0 : i32
    return %arg0, %c0_i32, %arg1, %c0_i32_0 : i32, i32, i32, i32
  }
  func.func @transform_1(%arg0: i32, %arg1: i32) -> (i32, i32, i32) {
    %c0_i32 = arith.constant 0 : i32
    %c0_i32_0 = arith.constant 0 : i32
    %c0_i32_1 = arith.constant 0 : i32
    %c0_i32_2 = arith.constant 0 : i32
    return %c0_i32, %c0_i32_0, %c0_i32_1 : i32, i32, i32
  }
  func.func @transform_2(%arg0: i32, %arg1: i32) -> (i32, i32) {
    %c0_i32 = arith.constant 0 : i32
    %c0_i32_0 = arith.constant 0 : i32
    %c0_i32_1 = arith.constant 0 : i32
    return %c0_i32, %c0_i32_0 : i32, i32
  }
}

module attributes {stable_mosaic.version = 14 : i64} {
  func.func @_conv2_body(%arg0: i32, %arg1: i32, %arg2: memref<1x1x2048x64xf32, #tpu.memory_space<vmem>>, %arg3: memref<8x64xf32, #tpu.memory_space<vmem>>, %arg4: memref<8x64xf32, #tpu.memory_space<vmem>>, %arg5: memref<1x64xf32, #tpu.memory_space<vmem>>, %arg6: memref<1x64xf32, #tpu.memory_space<vmem>>, %arg7: memref<64x64xf32, #tpu.memory_space<vmem>>, %arg8: memref<1x1x2048x64xf32, #tpu.memory_space<vmem>>) attributes {dimension_semantics = [#tpu.dimension_semantics<arbitrary>, #tpu.dimension_semantics<arbitrary>], iteration_bounds = array<i64: 4, 20>, scalar_prefetch = 0 : i64, scratch_operands = 0 : i64, tpu.core_type = #tpu.core_type<tc>, window_params = [{transform_indices = @transform_0, window_bounds = array<i64: 1, 1, 2048, 64>}, {pipeline_mode = #tpu.pipeline_mode<synchronous>, transform_indices = @transform_1, window_bounds = array<i64: 8, 64>}, {pipeline_mode = #tpu.pipeline_mode<synchronous>, transform_indices = @transform_2, window_bounds = array<i64: 8, 64>}, {pipeline_mode = #tpu.pipeline_mode<synchronous>, transform_indices = @transform_3, window_bounds = array<i64: 1, 64>}, {pipeline_mode = #tpu.pipeline_mode<synchronous>, transform_indices = @transform_4, window_bounds = array<i64: 1, 64>}, {pipeline_mode = #tpu.pipeline_mode<synchronous>, transform_indices = @transform_5, window_bounds = array<i64: 64, 64>}, {transform_indices = @transform_6, window_bounds = array<i64: 1, 1, 2048, 64>}]} {
    %get3A = arith.constant 0 : index
    %get3A_0 = arith.constant 0 : index
    %get3A_1 = arith.constant 0 : index
    %get3A_2 = arith.constant 0 : index
    %get3A_3 = vector.load %arg2[%get3A, %get3A_0, %get3A_1, %get3A_2] : memref<1x1x2048x64xf32, #tpu.memory_space<vmem>>, vector<1x1x2048x64xf32>
    %get3A_4 = vector.shape_cast %get3A_3 : vector<1x1x2048x64xf32> to vector<2048x64xf32>
    %get3A_5 = arith.constant 0 : index
    %get3A_6 = arith.constant 0 : index
    %get3A_7 = vector.load %arg3[%get3A_5, %get3A_6] : memref<8x64xf32, #tpu.memory_space<vmem>>, vector<1x64xf32>
    %get3A_8 = arith.constant 0 : index
    %get3A_9 = arith.constant 0 : index
    %get3A_10 = vector.load %arg4[%get3A_8, %get3A_9] : memref<8x64xf32, #tpu.memory_space<vmem>>, vector<1x64xf32>
    %get3A_11 = arith.constant 0 : index
    %get3A_12 = arith.constant 0 : index
    %get3A_13 = vector.load %arg5[%get3A_11, %get3A_12] : memref<1x64xf32, #tpu.memory_space<vmem>>, vector<1x64xf32>
    %get3A_14 = arith.constant 0 : index
    %get3A_15 = arith.constant 0 : index
    %get3A_16 = vector.load %arg6[%get3A_14, %get3A_15] : memref<1x64xf32, #tpu.memory_space<vmem>>, vector<1x64xf32>
    %sub3A = vector.broadcast %get3A_7 : vector<1x64xf32> to vector<2048x64xf32>
    %sub3A_17 = arith.subf %get3A_4, %sub3A : vector<2048x64xf32>
    %add3A = arith.constant 9.99999974E-6 : f32
    %add3A_18 = vector.broadcast %add3A : f32 to vector<1x64xf32>
    %add3A_19 = arith.addf %get3A_10, %add3A_18 : vector<1x64xf32>
    %sqrt3A = math.sqrt %add3A_19 : vector<1x64xf32>
    %div3A = vector.broadcast %sqrt3A : vector<1x64xf32> to vector<2048x64xf32>
    %div3A_20 = arith.divf %sub3A_17, %div3A : vector<2048x64xf32>
    %mul3A = vector.broadcast %get3A_13 : vector<1x64xf32> to vector<2048x64xf32>
    %mul3A_21 = arith.mulf %div3A_20, %mul3A : vector<2048x64xf32>
    %add3A_22 = vector.broadcast %get3A_16 : vector<1x64xf32> to vector<2048x64xf32>
    %add3A_23 = arith.addf %mul3A_21, %add3A_22 : vector<2048x64xf32>
    %ge3A = arith.constant 0.000000e+00 : f32
    %ge3A_24 = vector.broadcast %ge3A : f32 to vector<2048x64xf32>
    %ge3A_25 = arith.cmpf oge, %add3A_23, %ge3A_24 : vector<2048x64xf32>
    %mul3A_26 = arith.constant 2.000000e-01 : f32
    %mul3A_27 = vector.broadcast %mul3A_26 : f32 to vector<2048x64xf32>
    %mul3A_28 = arith.mulf %mul3A_27, %add3A_23 : vector<2048x64xf32>
    %select_n3A = arith.select %ge3A_25, %add3A_23, %mul3A_28 : vector<2048x64xi1>, vector<2048x64xf32>
    %get3A_29 = arith.constant 0 : index
    %get3A_30 = arith.constant 0 : index
    %get3A_31 = vector.load %arg7[%get3A_29, %get3A_30] : memref<64x64xf32, #tpu.memory_space<vmem>>, vector<64x64xf32>
    %dot_general3A = arith.constant dense<0.000000e+00> : vector<2048x64xf32>
    %dot_general3A_32 = tpu.matmul %select_n3A, %get3A_31, %dot_general3A {dimension_numbers = #tpu.dot_dimension_numbers<[1], [0], [0], [1], [0, 0, 1, 1], [], []>, transpose_lhs_hint = false} : vector<2048x64xf32>, vector<64x64xf32>, vector<2048x64xf32> -> vector<2048x64xf32>
    %swap3A = arith.constant 0 : index
    %swap3A_33 = arith.constant 0 : index
    %swap3A_34 = arith.constant 0 : index
    %swap3A_35 = arith.constant 0 : index
    %swap3A_36 = vector.load %arg8[%swap3A, %swap3A_33, %swap3A_34, %swap3A_35] : memref<1x1x2048x64xf32, #tpu.memory_space<vmem>>, vector<1x1x2048x64xf32>
    %swap3A_37 = vector.shape_cast %swap3A_36 : vector<1x1x2048x64xf32> to vector<2048x64xf32>
    %swap3A_38 = vector.shape_cast %dot_general3A_32 : vector<2048x64xf32> to vector<1x1x2048x64xf32>
    tpu.vector_store %arg8[%swap3A, %swap3A_33, %swap3A_34, %swap3A_35], %swap3A_38 {strides = array<i32>} : memref<1x1x2048x64xf32, #tpu.memory_space<vmem>>, vector<1x1x2048x64xf32>,
    return
  }
  func.func @transform_0(%arg0: i32, %arg1: i32) -> (i32, i32, i32, i32) {
    %c0_i32 = arith.constant 0 : i32
    %c0_i32_0 = arith.constant 0 : i32
    %c0_i32_1 = arith.constant 0 : i32
    return %arg0, %arg1, %c0_i32, %c0_i32_0 : i32, i32, i32, i32
  }
  func.func @transform_1(%arg0: i32, %arg1: i32) -> (i32, i32) {
    %c0_i32 = arith.constant 0 : i32
    %c0_i32_0 = arith.constant 0 : i32
    %c0_i32_1 = arith.constant 0 : i32
    return %c0_i32, %c0_i32_0 : i32, i32
  }
  func.func @transform_2(%arg0: i32, %arg1: i32) -> (i32, i32) {
    %c0_i32 = arith.constant 0 : i32
    %c0_i32_0 = arith.constant 0 : i32
    %c0_i32_1 = arith.constant 0 : i32
    return %c0_i32, %c0_i32_0 : i32, i32
  }
  func.func @transform_3(%arg0: i32, %arg1: i32) -> (i32, i32) {
    %c0_i32 = arith.constant 0 : i32
    %c0_i32_0 = arith.constant 0 : i32
    %c0_i32_1 = arith.constant 0 : i32
    return %c0_i32, %c0_i32_0 : i32, i32
  }
  func.func @transform_4(%arg0: i32, %arg1: i32) -> (i32, i32) {
    %c0_i32 = arith.constant 0 : i32
    %c0_i32_0 = arith.constant 0 : i32
    %c0_i32_1 = arith.constant 0 : i32
    return %c0_i32, %c0_i32_0 : i32, i32
  }
  func.func @transform_5(%arg0: i32, %arg1: i32) -> (i32, i32) {
    %c0_i32 = arith.constant 0 : i32
    %c0_i32_0 = arith.constant 0 : i32
    %c0_i32_1 = arith.constant 0 : i32
    return %c0_i32, %c0_i32_0 : i32, i32
  }
  func.func @transform_6(%arg0: i32, %arg1: i32) -> (i32, i32, i32, i32) {
    %c0_i32 = arith.constant 0 : i32
    %c0_i32_0 = arith.constant 0 : i32
    %c0_i32_1 = arith.constant 0 : i32
    return %arg0, %arg1, %c0_i32, %c0_i32_0 : i32, i32, i32, i32
  }
}

module attributes {stable_mosaic.version = 14 : i64} {
  func.func @_final_body(%arg0: i32, %arg1: i32, %arg2: memref<1x1x2048x64xf32, #tpu.memory_space<vmem>>, %arg3: memref<8x64xf32, #tpu.memory_space<vmem>>, %arg4: memref<8x64xf32, #tpu.memory_space<vmem>>, %arg5: memref<1x64xf32, #tpu.memory_space<vmem>>, %arg6: memref<1x64xf32, #tpu.memory_space<vmem>>, %arg7: memref<1x2048x128xf32, #tpu.memory_space<vmem>>) attributes {dimension_semantics = [#tpu.dimension_semantics<arbitrary>, #tpu.dimension_semantics<arbitrary>], iteration_bounds = array<i64: 4, 20>, scalar_prefetch = 0 : i64, scratch_operands = 0 : i64, tpu.core_type = #tpu.core_type<tc>, window_params = [{transform_indices = @transform_0, window_bounds = array<i64: 1, 1, 2048, 64>}, {pipeline_mode = #tpu.pipeline_mode<synchronous>, transform_indices = @transform_1, window_bounds = array<i64: 8, 64>}, {pipeline_mode = #tpu.pipeline_mode<synchronous>, transform_indices = @transform_2, window_bounds = array<i64: 8, 64>}, {pipeline_mode = #tpu.pipeline_mode<synchronous>, transform_indices = @transform_3, window_bounds = array<i64: 1, 64>}, {pipeline_mode = #tpu.pipeline_mode<synchronous>, transform_indices = @transform_4, window_bounds = array<i64: 1, 64>}, {transform_indices = @transform_5, window_bounds = array<i64: 1, 2048, 128>}]} {
    %get3A = arith.constant 0 : index
    %get3A_0 = arith.constant 0 : index
    %get3A_1 = arith.constant 0 : index
    %get3A_2 = arith.constant 0 : index
    %get3A_3 = vector.load %arg2[%get3A, %get3A_0, %get3A_1, %get3A_2] : memref<1x1x2048x64xf32, #tpu.memory_space<vmem>>, vector<1x1x2048x64xf32>
    %get3A_4 = vector.shape_cast %get3A_3 : vector<1x1x2048x64xf32> to vector<2048x64xf32>
    %get3A_5 = arith.constant 0 : index
    %get3A_6 = arith.constant 0 : index
    %get3A_7 = vector.load %arg3[%get3A_5, %get3A_6] : memref<8x64xf32, #tpu.memory_space<vmem>>, vector<1x64xf32>
    %get3A_8 = arith.constant 0 : index
    %get3A_9 = arith.constant 0 : index
    %get3A_10 = vector.load %arg4[%get3A_8, %get3A_9] : memref<8x64xf32, #tpu.memory_space<vmem>>, vector<1x64xf32>
    %get3A_11 = arith.constant 0 : index
    %get3A_12 = arith.constant 0 : index
    %get3A_13 = vector.load %arg5[%get3A_11, %get3A_12] : memref<1x64xf32, #tpu.memory_space<vmem>>, vector<1x64xf32>
    %get3A_14 = arith.constant 0 : index
    %get3A_15 = arith.constant 0 : index
    %get3A_16 = vector.load %arg6[%get3A_14, %get3A_15] : memref<1x64xf32, #tpu.memory_space<vmem>>, vector<1x64xf32>
    %sub3A = vector.broadcast %get3A_7 : vector<1x64xf32> to vector<2048x64xf32>
    %sub3A_17 = arith.subf %get3A_4, %sub3A : vector<2048x64xf32>
    %add3A = arith.constant 9.99999974E-6 : f32
    %add3A_18 = vector.broadcast %add3A : f32 to vector<1x64xf32>
    %add3A_19 = arith.addf %get3A_10, %add3A_18 : vector<1x64xf32>
    %sqrt3A = math.sqrt %add3A_19 : vector<1x64xf32>
    %div3A = vector.broadcast %sqrt3A : vector<1x64xf32> to vector<2048x64xf32>
    %div3A_20 = arith.divf %sub3A_17, %div3A : vector<2048x64xf32>
    %mul3A = vector.broadcast %get3A_13 : vector<1x64xf32> to vector<2048x64xf32>
    %mul3A_21 = arith.mulf %div3A_20, %mul3A : vector<2048x64xf32>
    %add3A_22 = vector.broadcast %get3A_16 : vector<1x64xf32> to vector<2048x64xf32>
    %add3A_23 = arith.addf %mul3A_21, %add3A_22 : vector<2048x64xf32>
    %ge3A = arith.constant 0.000000e+00 : f32
    %ge3A_24 = vector.broadcast %ge3A : f32 to vector<2048x64xf32>
    %ge3A_25 = arith.cmpf oge, %add3A_23, %ge3A_24 : vector<2048x64xf32>
    %mul3A_26 = arith.constant 2.000000e-01 : f32
    %mul3A_27 = vector.broadcast %mul3A_26 : f32 to vector<2048x64xf32>
    %mul3A_28 = arith.mulf %mul3A_27, %add3A_23 : vector<2048x64xf32>
    %select_n3A = arith.select %ge3A_25, %add3A_23, %mul3A_28 : vector<2048x64xi1>, vector<2048x64xf32>
    %jit3A = arith.constant 0 : i32
    %convert_element_type3A = arith.sitofp %jit3A : i32 to f32
    %pad3A = vector.broadcast %convert_element_type3A : f32 to vector<2048x64xf32>
    %pad3A_29 = tpu.concatenate %select_n3A, %pad3A in 1 : vector<2048x64xf32>, vector<2048x64xf32> -> vector<2048x128xf32>
    %eq3A = arith.constant 0 : i32
    %eq3A_30 = arith.cmpi eq, %arg1, %eq3A : i32
    %convert_element_type3A_31 = arith.extui %eq3A_30 : i1 to i32
    %cond3A = arith.constant 0 : i32
    %cond3A_32 = arith.cmpi ne, %convert_element_type3A_31, %cond3A : i32
    scf.if %cond3A_32 {
      %swap3A = arith.constant 0 : index
      %swap3A_37 = arith.constant 0 : index
      %swap3A_38 = arith.constant 0 : index
      %swap3A_39 = vector.load %arg7[%swap3A, %swap3A_37, %swap3A_38] : memref<1x2048x128xf32, #tpu.memory_space<vmem>>, vector<1x2048x128xf32>
      %swap3A_40 = vector.shape_cast %swap3A_39 : vector<1x2048x128xf32> to vector<2048x128xf32>
      %swap3A_41 = vector.shape_cast %pad3A_29 : vector<2048x128xf32> to vector<1x2048x128xf32>
      tpu.vector_store %arg7[%swap3A, %swap3A_37, %swap3A_38], %swap3A_41 {strides = array<i32>} : memref<1x2048x128xf32, #tpu.memory_space<vmem>>, vector<1x2048x128xf32>,
    } else {
    }
    %gt3A = arith.constant 0 : i32
    %gt3A_33 = arith.cmpi sgt, %arg1, %gt3A : i32
    %convert_element_type3A_34 = arith.extui %gt3A_33 : i1 to i32
    %cond3A_35 = arith.constant 0 : i32
    %cond3A_36 = arith.cmpi ne, %convert_element_type3A_34, %cond3A_35 : i32
    scf.if %cond3A_36 {
      %get3A_37 = arith.constant 0 : index
      %get3A_38 = arith.constant 0 : index
      %get3A_39 = arith.constant 0 : index
      %get3A_40 = vector.load %arg7[%get3A_37, %get3A_38, %get3A_39] : memref<1x2048x128xf32, #tpu.memory_space<vmem>>, vector<1x2048x128xf32>
      %get3A_41 = vector.shape_cast %get3A_40 : vector<1x2048x128xf32> to vector<2048x128xf32>
      %max3A = arith.maximumf %get3A_41, %pad3A_29 : vector<2048x128xf32>
      %swap3A = arith.constant 0 : index
      %swap3A_42 = arith.constant 0 : index
      %swap3A_43 = arith.constant 0 : index
      %swap3A_44 = vector.load %arg7[%swap3A, %swap3A_42, %swap3A_43] : memref<1x2048x128xf32, #tpu.memory_space<vmem>>, vector<1x2048x128xf32>
      %swap3A_45 = vector.shape_cast %swap3A_44 : vector<1x2048x128xf32> to vector<2048x128xf32>
      %swap3A_46 = vector.shape_cast %max3A : vector<2048x128xf32> to vector<1x2048x128xf32>
      tpu.vector_store %arg7[%swap3A, %swap3A_42, %swap3A_43], %swap3A_46 {strides = array<i32>} : memref<1x2048x128xf32, #tpu.memory_space<vmem>>, vector<1x2048x128xf32>,
    } else {
    }
    return
  }
  func.func @transform_0(%arg0: i32, %arg1: i32) -> (i32, i32, i32, i32) {
    %c0_i32 = arith.constant 0 : i32
    %c0_i32_0 = arith.constant 0 : i32
    %c0_i32_1 = arith.constant 0 : i32
    return %arg0, %arg1, %c0_i32, %c0_i32_0 : i32, i32, i32, i32
  }
  func.func @transform_1(%arg0: i32, %arg1: i32) -> (i32, i32) {
    %c0_i32 = arith.constant 0 : i32
    %c0_i32_0 = arith.constant 0 : i32
    %c0_i32_1 = arith.constant 0 : i32
    return %c0_i32, %c0_i32_0 : i32, i32
  }
  func.func @transform_2(%arg0: i32, %arg1: i32) -> (i32, i32) {
    %c0_i32 = arith.constant 0 : i32
    %c0_i32_0 = arith.constant 0 : i32
    %c0_i32_1 = arith.constant 0 : i32
    return %c0_i32, %c0_i32_0 : i32, i32
  }
  func.func @transform_3(%arg0: i32, %arg1: i32) -> (i32, i32) {
    %c0_i32 = arith.constant 0 : i32
    %c0_i32_0 = arith.constant 0 : i32
    %c0_i32_1 = arith.constant 0 : i32
    return %c0_i32, %c0_i32_0 : i32, i32
  }
  func.func @transform_4(%arg0: i32, %arg1: i32) -> (i32, i32) {
    %c0_i32 = arith.constant 0 : i32
    %c0_i32_0 = arith.constant 0 : i32
    %c0_i32_1 = arith.constant 0 : i32
    return %c0_i32, %c0_i32_0 : i32, i32
  }
  func.func @transform_5(%arg0: i32, %arg1: i32) -> (i32, i32, i32) {
    %c0_i32 = arith.constant 0 : i32
    %c0_i32_0 = arith.constant 0 : i32
    %c0_i32_1 = arith.constant 0 : i32
    return %arg0, %c0_i32, %c0_i32_0 : i32, i32, i32
  }
}

module attributes {stable_mosaic.version = 14 : i64} {
  func.func @_mlp1_body(%arg0: i32, %arg1: i32, %arg2: memref<1x512x192xf32, #tpu.memory_space<vmem>>, %arg3: memref<192x512xf32, #tpu.memory_space<vmem>>, %arg4: memref<1x512x512xf32, #tpu.memory_space<vmem>>, %arg5: memref<8x512xf32, #tpu.memory_space<vmem>>, %arg6: memref<8x512xf32, #tpu.memory_space<vmem>>) attributes {dimension_semantics = [#tpu.dimension_semantics<arbitrary>, #tpu.dimension_semantics<arbitrary>], iteration_bounds = array<i64: 4, 4>, scalar_prefetch = 0 : i64, scratch_operands = 0 : i64, tpu.core_type = #tpu.core_type<tc>, window_params = [{transform_indices = @transform_0, window_bounds = array<i64: 1, 512, 192>}, {pipeline_mode = #tpu.pipeline_mode<synchronous>, transform_indices = @transform_1, window_bounds = array<i64: 192, 512>}, {transform_indices = @transform_2, window_bounds = array<i64: 1, 512, 512>}, {pipeline_mode = #tpu.pipeline_mode<synchronous>, transform_indices = @transform_3, window_bounds = array<i64: 8, 512>}, {pipeline_mode = #tpu.pipeline_mode<synchronous>, transform_indices = @transform_4, window_bounds = array<i64: 8, 512>}]} {
    %eq3A = arith.constant 0 : i32
    %eq3A_0 = arith.cmpi eq, %arg0, %eq3A : i32
    %eq3A_1 = arith.constant 0 : i32
    %eq3A_2 = arith.cmpi eq, %arg1, %eq3A_1 : i32
    %and3A = arith.andi %eq3A_0, %eq3A_2 : i1
    %get3A = arith.constant 0 : index
    %get3A_3 = arith.constant 0 : index
    %get3A_4 = arith.constant 0 : index
    %get3A_5 = vector.load %arg2[%get3A, %get3A_3, %get3A_4] : memref<1x512x192xf32, #tpu.memory_space<vmem>>, vector<1x512x192xf32>
    %get3A_6 = vector.shape_cast %get3A_5 : vector<1x512x192xf32> to vector<512x192xf32>
    %get3A_7 = arith.constant 0 : index
    %get3A_8 = arith.constant 0 : index
    %get3A_9 = vector.load %arg3[%get3A_7, %get3A_8] : memref<192x512xf32, #tpu.memory_space<vmem>>, vector<192x512xf32>
    %dot_general3A = arith.constant dense<0.000000e+00> : vector<512x512xf32>
    %dot_general3A_10 = tpu.matmul %get3A_6, %get3A_9, %dot_general3A {dimension_numbers = #tpu.dot_dimension_numbers<[1], [0], [0], [1], [0, 0, 1, 1], [], []>, transpose_lhs_hint = false} : vector<512x192xf32>, vector<192x512xf32>, vector<512x512xf32> -> vector<512x512xf32>
    %swap3A = arith.constant 0 : index
    %swap3A_11 = arith.constant 0 : index
    %swap3A_12 = arith.constant 0 : index
    %swap3A_13 = vector.load %arg4[%swap3A, %swap3A_11, %swap3A_12] : memref<1x512x512xf32, #tpu.memory_space<vmem>>, vector<1x512x512xf32>
    %swap3A_14 = vector.shape_cast %swap3A_13 : vector<1x512x512xf32> to vector<512x512xf32>
    %swap3A_15 = vector.shape_cast %dot_general3A_10 : vector<512x512xf32> to vector<1x512x512xf32>
    tpu.vector_store %arg4[%swap3A, %swap3A_11, %swap3A_12], %swap3A_15 {strides = array<i32>} : memref<1x512x512xf32, #tpu.memory_space<vmem>>, vector<1x512x512xf32>,
    %reshape3A = vector.shape_cast %dot_general3A_10 : vector<512x512xf32> to vector<8x64x512xf32>
    %reduce_sum3A = arith.constant dense<0.000000e+00> : vector<8x512xf32>
    %reduce_sum3A_16 = vector.multi_reduction <add>, %reshape3A, %reduce_sum3A [1] : vector<8x64x512xf32> to vector<8x512xf32>
    %mul3A = arith.mulf %reshape3A, %reshape3A : vector<8x64x512xf32>
    %reduce_sum3A_17 = arith.constant dense<0.000000e+00> : vector<8x512xf32>
    %reduce_sum3A_18 = vector.multi_reduction <add>, %mul3A, %reduce_sum3A_17 [1] : vector<8x64x512xf32> to vector<8x512xf32>
    %convert_element_type3A = arith.extui %and3A : i1 to i32
    %cond3A = arith.constant 0 : i32
    %cond3A_19 = arith.cmpi ne, %convert_element_type3A, %cond3A : i32
    scf.if %cond3A_19 {
      %swap3A_24 = arith.constant 0 : index
      %swap3A_25 = arith.constant 0 : index
      %swap3A_26 = vector.load %arg5[%swap3A_24, %swap3A_25] : memref<8x512xf32, #tpu.memory_space<vmem>>, vector<8x512xf32>
      tpu.vector_store %arg5[%swap3A_24, %swap3A_25], %reduce_sum3A_16 {strides = array<i32>} : memref<8x512xf32, #tpu.memory_space<vmem>>, vector<8x512xf32>,
      %swap3A_27 = arith.constant 0 : index
      %swap3A_28 = arith.constant 0 : index
      %swap3A_29 = vector.load %arg6[%swap3A_27, %swap3A_28] : memref<8x512xf32, #tpu.memory_space<vmem>>, vector<8x512xf32>
      tpu.vector_store %arg6[%swap3A_27, %swap3A_28], %reduce_sum3A_18 {strides = array<i32>} : memref<8x512xf32, #tpu.memory_space<vmem>>, vector<8x512xf32>,
    } else {
    }
    %not3A = arith.constant true
    %not3A_20 = arith.xori %and3A, %not3A : i1
    %convert_element_type3A_21 = arith.extui %not3A_20 : i1 to i32
    %cond3A_22 = arith.constant 0 : i32
    %cond3A_23 = arith.cmpi ne, %convert_element_type3A_21, %cond3A_22 : i32
    scf.if %cond3A_23 {
      %get3A_24 = arith.constant 0 : index
      %get3A_25 = arith.constant 0 : index
      %get3A_26 = vector.load %arg5[%get3A_24, %get3A_25] : memref<8x512xf32, #tpu.memory_space<vmem>>, vector<8x512xf32>
      %add3A = arith.addf %get3A_26, %reduce_sum3A_16 : vector<8x512xf32>
      %swap3A_27 = arith.constant 0 : index
      %swap3A_28 = arith.constant 0 : index
      %swap3A_29 = vector.load %arg5[%swap3A_27, %swap3A_28] : memref<8x512xf32, #tpu.memory_space<vmem>>, vector<8x512xf32>
      tpu.vector_store %arg5[%swap3A_27, %swap3A_28], %add3A {strides = array<i32>} : memref<8x512xf32, #tpu.memory_space<vmem>>, vector<8x512xf32>,
      %get3A_30 = arith.constant 0 : index
      %get3A_31 = arith.constant 0 : index
      %get3A_32 = vector.load %arg6[%get3A_30, %get3A_31] : memref<8x512xf32, #tpu.memory_space<vmem>>, vector<8x512xf32>
      %add3A_33 = arith.addf %get3A_32, %reduce_sum3A_18 : vector<8x512xf32>
      %swap3A_34 = arith.constant 0 : index
      %swap3A_35 = arith.constant 0 : index
      %swap3A_36 = vector.load %arg6[%swap3A_34, %swap3A_35] : memref<8x512xf32, #tpu.memory_space<vmem>>, vector<8x512xf32>
      tpu.vector_store %arg6[%swap3A_34, %swap3A_35], %add3A_33 {strides = array<i32>} : memref<8x512xf32, #tpu.memory_space<vmem>>, vector<8x512xf32>,
    } else {
    }
    return
  }
  func.func @transform_0(%arg0: i32, %arg1: i32) -> (i32, i32, i32) {
    %c0_i32 = arith.constant 0 : i32
    %c0_i32_0 = arith.constant 0 : i32
    return %arg0, %arg1, %c0_i32 : i32, i32, i32
  }
  func.func @transform_1(%arg0: i32, %arg1: i32) -> (i32, i32) {
    %c0_i32 = arith.constant 0 : i32
    %c0_i32_0 = arith.constant 0 : i32
    %c0_i32_1 = arith.constant 0 : i32
    return %c0_i32, %c0_i32_0 : i32, i32
  }
  func.func @transform_2(%arg0: i32, %arg1: i32) -> (i32, i32, i32) {
    %c0_i32 = arith.constant 0 : i32
    %c0_i32_0 = arith.constant 0 : i32
    return %arg0, %arg1, %c0_i32 : i32, i32, i32
  }
  func.func @transform_3(%arg0: i32, %arg1: i32) -> (i32, i32) {
    %c0_i32 = arith.constant 0 : i32
    %c0_i32_0 = arith.constant 0 : i32
    %c0_i32_1 = arith.constant 0 : i32
    return %c0_i32, %c0_i32_0 : i32, i32
  }
  func.func @transform_4(%arg0: i32, %arg1: i32) -> (i32, i32) {
    %c0_i32 = arith.constant 0 : i32
    %c0_i32_0 = arith.constant 0 : i32
    %c0_i32_1 = arith.constant 0 : i32
    return %c0_i32, %c0_i32_0 : i32, i32
  }
}

module attributes {stable_mosaic.version = 14 : i64} {
  func.func @_mlp2_body(%arg0: i32, %arg1: i32, %arg2: memref<1x512x512xf32, #tpu.memory_space<vmem>>, %arg3: memref<8x512xf32, #tpu.memory_space<vmem>>, %arg4: memref<8x512xf32, #tpu.memory_space<vmem>>, %arg5: memref<1x512xf32, #tpu.memory_space<vmem>>, %arg6: memref<1x512xf32, #tpu.memory_space<vmem>>, %arg7: memref<512x256xf32, #tpu.memory_space<vmem>>, %arg8: memref<1x512x256xf32, #tpu.memory_space<vmem>>, %arg9: memref<8x256xf32, #tpu.memory_space<vmem>>, %arg10: memref<8x256xf32, #tpu.memory_space<vmem>>) attributes {dimension_semantics = [#tpu.dimension_semantics<arbitrary>, #tpu.dimension_semantics<arbitrary>], iteration_bounds = array<i64: 4, 4>, scalar_prefetch = 0 : i64, scratch_operands = 0 : i64, tpu.core_type = #tpu.core_type<tc>, window_params = [{transform_indices = @transform_0, window_bounds = array<i64: 1, 512, 512>}, {pipeline_mode = #tpu.pipeline_mode<synchronous>, transform_indices = @transform_1, window_bounds = array<i64: 8, 512>}, {pipeline_mode = #tpu.pipeline_mode<synchronous>, transform_indices = @transform_2, window_bounds = array<i64: 8, 512>}, {pipeline_mode = #tpu.pipeline_mode<synchronous>, transform_indices = @transform_3, window_bounds = array<i64: 1, 512>}, {pipeline_mode = #tpu.pipeline_mode<synchronous>, transform_indices = @transform_4, window_bounds = array<i64: 1, 512>}, {pipeline_mode = #tpu.pipeline_mode<synchronous>, transform_indices = @transform_5, window_bounds = array<i64: 512, 256>}, {transform_indices = @transform_6, window_bounds = array<i64: 1, 512, 256>}, {pipeline_mode = #tpu.pipeline_mode<synchronous>, transform_indices = @transform_7, window_bounds = array<i64: 8, 256>}, {pipeline_mode = #tpu.pipeline_mode<synchronous>, transform_indices = @transform_8, window_bounds = array<i64: 8, 256>}]} {
    %eq3A = arith.constant 0 : i32
    %eq3A_0 = arith.cmpi eq, %arg0, %eq3A : i32
    %eq3A_1 = arith.constant 0 : i32
    %eq3A_2 = arith.cmpi eq, %arg1, %eq3A_1 : i32
    %and3A = arith.andi %eq3A_0, %eq3A_2 : i1
    %get3A = arith.constant 0 : index
    %get3A_3 = arith.constant 0 : index
    %get3A_4 = vector.load %arg3[%get3A, %get3A_3] : memref<8x512xf32, #tpu.memory_space<vmem>>, vector<8x512xf32>
    %reduce_sum3A = arith.constant dense<0.000000e+00> : vector<512xf32>
    %reduce_sum3A_5 = vector.multi_reduction <add>, %get3A_4, %reduce_sum3A [0] : vector<8x512xf32> to vector<512xf32>
    %broadcast_in_dim3A = vector.shape_cast %reduce_sum3A_5 : vector<512xf32> to vector<1x512xf32>
    %get3A_6 = arith.constant 0 : index
    %get3A_7 = arith.constant 0 : index
    %get3A_8 = vector.load %arg4[%get3A_6, %get3A_7] : memref<8x512xf32, #tpu.memory_space<vmem>>, vector<8x512xf32>
    %reduce_sum3A_9 = arith.constant dense<0.000000e+00> : vector<512xf32>
    %reduce_sum3A_10 = vector.multi_reduction <add>, %get3A_8, %reduce_sum3A_9 [0] : vector<8x512xf32> to vector<512xf32>
    %broadcast_in_dim3A_11 = vector.shape_cast %reduce_sum3A_10 : vector<512xf32> to vector<1x512xf32>
    %div3A = arith.constant 8.192000e+03 : f32
    %div3A_12 = vector.broadcast %div3A : f32 to vector<1x512xf32>
    %div3A_13 = arith.divf %broadcast_in_dim3A, %div3A_12 : vector<1x512xf32>
    %div3A_14 = arith.constant 8.192000e+03 : f32
    %div3A_15 = vector.broadcast %div3A_14 : f32 to vector<1x512xf32>
    %div3A_16 = arith.divf %broadcast_in_dim3A_11, %div3A_15 : vector<1x512xf32>
    %mul3A = arith.mulf %div3A_13, %div3A_13 : vector<1x512xf32>
    %sub3A = arith.subf %div3A_16, %mul3A : vector<1x512xf32>
    %get3A_17 = arith.constant 0 : index
    %get3A_18 = arith.constant 0 : index
    %get3A_19 = arith.constant 0 : index
    %get3A_20 = vector.load %arg2[%get3A_17, %get3A_18, %get3A_19] : memref<1x512x512xf32, #tpu.memory_space<vmem>>, vector<1x512x512xf32>
    %get3A_21 = vector.shape_cast %get3A_20 : vector<1x512x512xf32> to vector<512x512xf32>
    %get3A_22 = arith.constant 0 : index
    %get3A_23 = arith.constant 0 : index
    %get3A_24 = vector.load %arg5[%get3A_22, %get3A_23] : memref<1x512xf32, #tpu.memory_space<vmem>>, vector<1x512xf32>
    %get3A_25 = arith.constant 0 : index
    %get3A_26 = arith.constant 0 : index
    %get3A_27 = vector.load %arg6[%get3A_25, %get3A_26] : memref<1x512xf32, #tpu.memory_space<vmem>>, vector<1x512xf32>
    %sub3A_28 = vector.broadcast %div3A_13 : vector<1x512xf32> to vector<512x512xf32>
    %sub3A_29 = arith.subf %get3A_21, %sub3A_28 : vector<512x512xf32>
    %add3A = arith.constant 9.99999974E-6 : f32
    %add3A_30 = vector.broadcast %add3A : f32 to vector<1x512xf32>
    %add3A_31 = arith.addf %sub3A, %add3A_30 : vector<1x512xf32>
    %sqrt3A = math.sqrt %add3A_31 : vector<1x512xf32>
    %div3A_32 = vector.broadcast %sqrt3A : vector<1x512xf32> to vector<512x512xf32>
    %div3A_33 = arith.divf %sub3A_29, %div3A_32 : vector<512x512xf32>
    %mul3A_34 = vector.broadcast %get3A_24 : vector<1x512xf32> to vector<512x512xf32>
    %mul3A_35 = arith.mulf %div3A_33, %mul3A_34 : vector<512x512xf32>
    %add3A_36 = vector.broadcast %get3A_27 : vector<1x512xf32> to vector<512x512xf32>
    %add3A_37 = arith.addf %mul3A_35, %add3A_36 : vector<512x512xf32>
    %ge3A = arith.constant 0.000000e+00 : f32
    %ge3A_38 = vector.broadcast %ge3A : f32 to vector<512x512xf32>
    %ge3A_39 = arith.cmpf oge, %add3A_37, %ge3A_38 : vector<512x512xf32>
    %mul3A_40 = arith.constant 2.000000e-01 : f32
    %mul3A_41 = vector.broadcast %mul3A_40 : f32 to vector<512x512xf32>
    %mul3A_42 = arith.mulf %mul3A_41, %add3A_37 : vector<512x512xf32>
    %select_n3A = arith.select %ge3A_39, %add3A_37, %mul3A_42 : vector<512x512xi1>, vector<512x512xf32>
    %get3A_43 = arith.constant 0 : index
    %get3A_44 = arith.constant 0 : index
    %get3A_45 = vector.load %arg7[%get3A_43, %get3A_44] : memref<512x256xf32, #tpu.memory_space<vmem>>, vector<512x256xf32>
    %dot_general3A = arith.constant dense<0.000000e+00> : vector<512x256xf32>
    %dot_general3A_46 = tpu.matmul %select_n3A, %get3A_45, %dot_general3A {dimension_numbers = #tpu.dot_dimension_numbers<[1], [0], [0], [1], [0, 0, 1, 1], [], []>, transpose_lhs_hint = false} : vector<512x512xf32>, vector<512x256xf32>, vector<512x256xf32> -> vector<512x256xf32>
    %swap3A = arith.constant 0 : index
    %swap3A_47 = arith.constant 0 : index
    %swap3A_48 = arith.constant 0 : index
    %swap3A_49 = vector.load %arg8[%swap3A, %swap3A_47, %swap3A_48] : memref<1x512x256xf32, #tpu.memory_space<vmem>>, vector<1x512x256xf32>
    %swap3A_50 = vector.shape_cast %swap3A_49 : vector<1x512x256xf32> to vector<512x256xf32>
    %swap3A_51 = vector.shape_cast %dot_general3A_46 : vector<512x256xf32> to vector<1x512x256xf32>
    tpu.vector_store %arg8[%swap3A, %swap3A_47, %swap3A_48], %swap3A_51 {strides = array<i32>} : memref<1x512x256xf32, #tpu.memory_space<vmem>>, vector<1x512x256xf32>,
    %reshape3A = vector.shape_cast %dot_general3A_46 : vector<512x256xf32> to vector<8x64x256xf32>
    %reduce_sum3A_52 = arith.constant dense<0.000000e+00> : vector<8x256xf32>
    %reduce_sum3A_53 = vector.multi_reduction <add>, %reshape3A, %reduce_sum3A_52 [1] : vector<8x64x256xf32> to vector<8x256xf32>
    %mul3A_54 = arith.mulf %reshape3A, %reshape3A : vector<8x64x256xf32>
    %reduce_sum3A_55 = arith.constant dense<0.000000e+00> : vector<8x256xf32>
    %reduce_sum3A_56 = vector.multi_reduction <add>, %mul3A_54, %reduce_sum3A_55 [1] : vector<8x64x256xf32> to vector<8x256xf32>
    %convert_element_type3A = arith.extui %and3A : i1 to i32
    %cond3A = arith.constant 0 : i32
    %cond3A_57 = arith.cmpi ne, %convert_element_type3A, %cond3A : i32
    scf.if %cond3A_57 {
      %swap3A_62 = arith.constant 0 : index
      %swap3A_63 = arith.constant 0 : index
      %swap3A_64 = vector.load %arg9[%swap3A_62, %swap3A_63] : memref<8x256xf32, #tpu.memory_space<vmem>>, vector<8x256xf32>
      tpu.vector_store %arg9[%swap3A_62, %swap3A_63], %reduce_sum3A_53 {strides = array<i32>} : memref<8x256xf32, #tpu.memory_space<vmem>>, vector<8x256xf32>,
      %swap3A_65 = arith.constant 0 : index
      %swap3A_66 = arith.constant 0 : index
      %swap3A_67 = vector.load %arg10[%swap3A_65, %swap3A_66] : memref<8x256xf32, #tpu.memory_space<vmem>>, vector<8x256xf32>
      tpu.vector_store %arg10[%swap3A_65, %swap3A_66], %reduce_sum3A_56 {strides = array<i32>} : memref<8x256xf32, #tpu.memory_space<vmem>>, vector<8x256xf32>,
    } else {
    }
    %not3A = arith.constant true
    %not3A_58 = arith.xori %and3A, %not3A : i1
    %convert_element_type3A_59 = arith.extui %not3A_58 : i1 to i32
    %cond3A_60 = arith.constant 0 : i32
    %cond3A_61 = arith.cmpi ne, %convert_element_type3A_59, %cond3A_60 : i32
    scf.if %cond3A_61 {
      %get3A_62 = arith.constant 0 : index
      %get3A_63 = arith.constant 0 : index
      %get3A_64 = vector.load %arg9[%get3A_62, %get3A_63] : memref<8x256xf32, #tpu.memory_space<vmem>>, vector<8x256xf32>
      %add3A_65 = arith.addf %get3A_64, %reduce_sum3A_53 : vector<8x256xf32>
      %swap3A_66 = arith.constant 0 : index
      %swap3A_67 = arith.constant 0 : index
      %swap3A_68 = vector.load %arg9[%swap3A_66, %swap3A_67] : memref<8x256xf32, #tpu.memory_space<vmem>>, vector<8x256xf32>
      tpu.vector_store %arg9[%swap3A_66, %swap3A_67], %add3A_65 {strides = array<i32>} : memref<8x256xf32, #tpu.memory_space<vmem>>, vector<8x256xf32>,
      %get3A_69 = arith.constant 0 : index
      %get3A_70 = arith.constant 0 : index
      %get3A_71 = vector.load %arg10[%get3A_69, %get3A_70] : memref<8x256xf32, #tpu.memory_space<vmem>>, vector<8x256xf32>
      %add3A_72 = arith.addf %get3A_71, %reduce_sum3A_56 : vector<8x256xf32>
      %swap3A_73 = arith.constant 0 : index
      %swap3A_74 = arith.constant 0 : index
      %swap3A_75 = vector.load %arg10[%swap3A_73, %swap3A_74] : memref<8x256xf32, #tpu.memory_space<vmem>>, vector<8x256xf32>
      tpu.vector_store %arg10[%swap3A_73, %swap3A_74], %add3A_72 {strides = array<i32>} : memref<8x256xf32, #tpu.memory_space<vmem>>, vector<8x256xf32>,
    } else {
    }
    return
  }
  func.func @transform_0(%arg0: i32, %arg1: i32) -> (i32, i32, i32) {
    %c0_i32 = arith.constant 0 : i32
    %c0_i32_0 = arith.constant 0 : i32
    return %arg0, %arg1, %c0_i32 : i32, i32, i32
  }
  func.func @transform_1(%arg0: i32, %arg1: i32) -> (i32, i32) {
    %c0_i32 = arith.constant 0 : i32
    %c0_i32_0 = arith.constant 0 : i32
    %c0_i32_1 = arith.constant 0 : i32
    return %c0_i32, %c0_i32_0 : i32, i32
  }
  func.func @transform_2(%arg0: i32, %arg1: i32) -> (i32, i32) {
    %c0_i32 = arith.constant 0 : i32
    %c0_i32_0 = arith.constant 0 : i32
    %c0_i32_1 = arith.constant 0 : i32
    return %c0_i32, %c0_i32_0 : i32, i32
  }
  func.func @transform_3(%arg0: i32, %arg1: i32) -> (i32, i32) {
    %c0_i32 = arith.constant 0 : i32
    %c0_i32_0 = arith.constant 0 : i32
    %c0_i32_1 = arith.constant 0 : i32
    return %c0_i32, %c0_i32_0 : i32, i32
  }
  func.func @transform_4(%arg0: i32, %arg1: i32) -> (i32, i32) {
    %c0_i32 = arith.constant 0 : i32
    %c0_i32_0 = arith.constant 0 : i32
    %c0_i32_1 = arith.constant 0 : i32
    return %c0_i32, %c0_i32_0 : i32, i32
  }
  func.func @transform_5(%arg0: i32, %arg1: i32) -> (i32, i32) {
    %c0_i32 = arith.constant 0 : i32
    %c0_i32_0 = arith.constant 0 : i32
    %c0_i32_1 = arith.constant 0 : i32
    return %c0_i32, %c0_i32_0 : i32, i32
  }
  func.func @transform_6(%arg0: i32, %arg1: i32) -> (i32, i32, i32) {
    %c0_i32 = arith.constant 0 : i32
    %c0_i32_0 = arith.constant 0 : i32
    return %arg0, %arg1, %c0_i32 : i32, i32, i32
  }
  func.func @transform_7(%arg0: i32, %arg1: i32) -> (i32, i32) {
    %c0_i32 = arith.constant 0 : i32
    %c0_i32_0 = arith.constant 0 : i32
    %c0_i32_1 = arith.constant 0 : i32
    return %c0_i32, %c0_i32_0 : i32, i32
  }
  func.func @transform_8(%arg0: i32, %arg1: i32) -> (i32, i32) {
    %c0_i32 = arith.constant 0 : i32
    %c0_i32_0 = arith.constant 0 : i32
    %c0_i32_1 = arith.constant 0 : i32
    return %c0_i32, %c0_i32_0 : i32, i32
  }
}

module attributes {stable_mosaic.version = 14 : i64} {
  func.func @_qkv_body(%arg0: i32, %arg1: i32, %arg2: memref<1x512x256xf32, #tpu.memory_space<vmem>>, %arg3: memref<8x256xf32, #tpu.memory_space<vmem>>, %arg4: memref<8x256xf32, #tpu.memory_space<vmem>>, %arg5: memref<1x256xf32, #tpu.memory_space<vmem>>, %arg6: memref<1x256xf32, #tpu.memory_space<vmem>>, %arg7: memref<256x128xf32, #tpu.memory_space<vmem>>, %arg8: memref<1x128xf32, #tpu.memory_space<vmem>>, %arg9: memref<256x128xf32, #tpu.memory_space<vmem>>, %arg10: memref<1x128xf32, #tpu.memory_space<vmem>>, %arg11: memref<256x256xf32, #tpu.memory_space<vmem>>, %arg12: memref<1x256xf32, #tpu.memory_space<vmem>>, %arg13: memref<1x512x256xf32, #tpu.memory_space<vmem>>, %arg14: memref<1x512x128xf32, #tpu.memory_space<vmem>>, %arg15: memref<1x512x128xf32, #tpu.memory_space<vmem>>, %arg16: memref<1x512x256xf32, #tpu.memory_space<vmem>>) attributes {dimension_semantics = [#tpu.dimension_semantics<arbitrary>, #tpu.dimension_semantics<arbitrary>], iteration_bounds = array<i64: 4, 4>, scalar_prefetch = 0 : i64, scratch_operands = 0 : i64, tpu.core_type = #tpu.core_type<tc>, window_params = [{transform_indices = @transform_0, window_bounds = array<i64: 1, 512, 256>}, {pipeline_mode = #tpu.pipeline_mode<synchronous>, transform_indices = @transform_1, window_bounds = array<i64: 8, 256>}, {pipeline_mode = #tpu.pipeline_mode<synchronous>, transform_indices = @transform_2, window_bounds = array<i64: 8, 256>}, {pipeline_mode = #tpu.pipeline_mode<synchronous>, transform_indices = @transform_3, window_bounds = array<i64: 1, 256>}, {pipeline_mode = #tpu.pipeline_mode<synchronous>, transform_indices = @transform_4, window_bounds = array<i64: 1, 256>}, {pipeline_mode = #tpu.pipeline_mode<synchronous>, transform_indices = @transform_5, window_bounds = array<i64: 256, 128>}, {pipeline_mode = #tpu.pipeline_mode<synchronous>, transform_indices = @transform_6, window_bounds = array<i64: 1, 128>}, {pipeline_mode = #tpu.pipeline_mode<synchronous>, transform_indices = @transform_7, window_bounds = array<i64: 256, 128>}, {pipeline_mode = #tpu.pipeline_mode<synchronous>, transform_indices = @transform_8, window_bounds = array<i64: 1, 128>}, {pipeline_mode = #tpu.pipeline_mode<synchronous>, transform_indices = @transform_9, window_bounds = array<i64: 256, 256>}, {pipeline_mode = #tpu.pipeline_mode<synchronous>, transform_indices = @transform_10, window_bounds = array<i64: 1, 256>}, {transform_indices = @transform_11, window_bounds = array<i64: 1, 512, 256>}, {transform_indices = @transform_12, window_bounds = array<i64: 1, 512, 128>}, {transform_indices = @transform_13, window_bounds = array<i64: 1, 512, 128>}, {transform_indices = @transform_14, window_bounds = array<i64: 1, 512, 256>}]} {
    %get3A = arith.constant 0 : index
    %get3A_0 = arith.constant 0 : index
    %get3A_1 = vector.load %arg3[%get3A, %get3A_0] : memref<8x256xf32, #tpu.memory_space<vmem>>, vector<8x256xf32>
    %reduce_sum3A = arith.constant dense<0.000000e+00> : vector<256xf32>
    %reduce_sum3A_2 = vector.multi_reduction <add>, %get3A_1, %reduce_sum3A [0] : vector<8x256xf32> to vector<256xf32>
    %broadcast_in_dim3A = vector.shape_cast %reduce_sum3A_2 : vector<256xf32> to vector<1x256xf32>
    %get3A_3 = arith.constant 0 : index
    %get3A_4 = arith.constant 0 : index
    %get3A_5 = vector.load %arg4[%get3A_3, %get3A_4] : memref<8x256xf32, #tpu.memory_space<vmem>>, vector<8x256xf32>
    %reduce_sum3A_6 = arith.constant dense<0.000000e+00> : vector<256xf32>
    %reduce_sum3A_7 = vector.multi_reduction <add>, %get3A_5, %reduce_sum3A_6 [0] : vector<8x256xf32> to vector<256xf32>
    %broadcast_in_dim3A_8 = vector.shape_cast %reduce_sum3A_7 : vector<256xf32> to vector<1x256xf32>
    %div3A = arith.constant 8.192000e+03 : f32
    %div3A_9 = vector.broadcast %div3A : f32 to vector<1x256xf32>
    %div3A_10 = arith.divf %broadcast_in_dim3A, %div3A_9 : vector<1x256xf32>
    %div3A_11 = arith.constant 8.192000e+03 : f32
    %div3A_12 = vector.broadcast %div3A_11 : f32 to vector<1x256xf32>
    %div3A_13 = arith.divf %broadcast_in_dim3A_8, %div3A_12 : vector<1x256xf32>
    %mul3A = arith.mulf %div3A_10, %div3A_10 : vector<1x256xf32>
    %sub3A = arith.subf %div3A_13, %mul3A : vector<1x256xf32>
    %get3A_14 = arith.constant 0 : index
    %get3A_15 = arith.constant 0 : index
    %get3A_16 = arith.constant 0 : index
    %get3A_17 = vector.load %arg2[%get3A_14, %get3A_15, %get3A_16] : memref<1x512x256xf32, #tpu.memory_space<vmem>>, vector<1x512x256xf32>
    %get3A_18 = vector.shape_cast %get3A_17 : vector<1x512x256xf32> to vector<512x256xf32>
    %get3A_19 = arith.constant 0 : index
    %get3A_20 = arith.constant 0 : index
    %get3A_21 = vector.load %arg5[%get3A_19, %get3A_20] : memref<1x256xf32, #tpu.memory_space<vmem>>, vector<1x256xf32>
    %get3A_22 = arith.constant 0 : index
    %get3A_23 = arith.constant 0 : index
    %get3A_24 = vector.load %arg6[%get3A_22, %get3A_23] : memref<1x256xf32, #tpu.memory_space<vmem>>, vector<1x256xf32>
    %sub3A_25 = vector.broadcast %div3A_10 : vector<1x256xf32> to vector<512x256xf32>
    %sub3A_26 = arith.subf %get3A_18, %sub3A_25 : vector<512x256xf32>
    %add3A = arith.constant 9.99999974E-6 : f32
    %add3A_27 = vector.broadcast %add3A : f32 to vector<1x256xf32>
    %add3A_28 = arith.addf %sub3A, %add3A_27 : vector<1x256xf32>
    %sqrt3A = math.sqrt %add3A_28 : vector<1x256xf32>
    %div3A_29 = vector.broadcast %sqrt3A : vector<1x256xf32> to vector<512x256xf32>
    %div3A_30 = arith.divf %sub3A_26, %div3A_29 : vector<512x256xf32>
    %mul3A_31 = vector.broadcast %get3A_21 : vector<1x256xf32> to vector<512x256xf32>
    %mul3A_32 = arith.mulf %div3A_30, %mul3A_31 : vector<512x256xf32>
    %add3A_33 = vector.broadcast %get3A_24 : vector<1x256xf32> to vector<512x256xf32>
    %add3A_34 = arith.addf %mul3A_32, %add3A_33 : vector<512x256xf32>
    %ge3A = arith.constant 0.000000e+00 : f32
    %ge3A_35 = vector.broadcast %ge3A : f32 to vector<512x256xf32>
    %ge3A_36 = arith.cmpf oge, %add3A_34, %ge3A_35 : vector<512x256xf32>
    %mul3A_37 = arith.constant 2.000000e-01 : f32
    %mul3A_38 = vector.broadcast %mul3A_37 : f32 to vector<512x256xf32>
    %mul3A_39 = arith.mulf %mul3A_38, %add3A_34 : vector<512x256xf32>
    %select_n3A = arith.select %ge3A_36, %add3A_34, %mul3A_39 : vector<512x256xi1>, vector<512x256xf32>
    %swap3A = arith.constant 0 : index
    %swap3A_40 = arith.constant 0 : index
    %swap3A_41 = arith.constant 0 : index
    %swap3A_42 = vector.load %arg13[%swap3A, %swap3A_40, %swap3A_41] : memref<1x512x256xf32, #tpu.memory_space<vmem>>, vector<1x512x256xf32>
    %swap3A_43 = vector.shape_cast %swap3A_42 : vector<1x512x256xf32> to vector<512x256xf32>
    %swap3A_44 = vector.shape_cast %select_n3A : vector<512x256xf32> to vector<1x512x256xf32>
    tpu.vector_store %arg13[%swap3A, %swap3A_40, %swap3A_41], %swap3A_44 {strides = array<i32>} : memref<1x512x256xf32, #tpu.memory_space<vmem>>, vector<1x512x256xf32>,
    %get3A_45 = arith.constant 0 : index
    %get3A_46 = arith.constant 0 : index
    %get3A_47 = vector.load %arg7[%get3A_45, %get3A_46] : memref<256x128xf32, #tpu.memory_space<vmem>>, vector<256x128xf32>
    %dot_general3A = arith.constant dense<0.000000e+00> : vector<512x128xf32>
    %dot_general3A_48 = tpu.matmul %select_n3A, %get3A_47, %dot_general3A {dimension_numbers = #tpu.dot_dimension_numbers<[1], [0], [0], [1], [0, 0, 1, 1], [], []>, transpose_lhs_hint = false} : vector<512x256xf32>, vector<256x128xf32>, vector<512x128xf32> -> vector<512x128xf32>
    %get3A_49 = arith.constant 0 : index
    %get3A_50 = arith.constant 0 : index
    %get3A_51 = vector.load %arg8[%get3A_49, %get3A_50] : memref<1x128xf32, #tpu.memory_space<vmem>>, vector<1x128xf32>
    %add3A_52 = vector.broadcast %get3A_51 : vector<1x128xf32> to vector<512x128xf32>
    %add3A_53 = arith.addf %dot_general3A_48, %add3A_52 : vector<512x128xf32>
    %swap3A_54 = arith.constant 0 : index
    %swap3A_55 = arith.constant 0 : index
    %swap3A_56 = arith.constant 0 : index
    %swap3A_57 = vector.load %arg14[%swap3A_54, %swap3A_55, %swap3A_56] : memref<1x512x128xf32, #tpu.memory_space<vmem>>, vector<1x512x128xf32>
    %swap3A_58 = vector.shape_cast %swap3A_57 : vector<1x512x128xf32> to vector<512x128xf32>
    %swap3A_59 = vector.shape_cast %add3A_53 : vector<512x128xf32> to vector<1x512x128xf32>
    tpu.vector_store %arg14[%swap3A_54, %swap3A_55, %swap3A_56], %swap3A_59 {strides = array<i32>} : memref<1x512x128xf32, #tpu.memory_space<vmem>>, vector<1x512x128xf32>,
    %get3A_60 = arith.constant 0 : index
    %get3A_61 = arith.constant 0 : index
    %get3A_62 = vector.load %arg9[%get3A_60, %get3A_61] : memref<256x128xf32, #tpu.memory_space<vmem>>, vector<256x128xf32>
    %dot_general3A_63 = arith.constant dense<0.000000e+00> : vector<512x128xf32>
    %dot_general3A_64 = tpu.matmul %select_n3A, %get3A_62, %dot_general3A_63 {dimension_numbers = #tpu.dot_dimension_numbers<[1], [0], [0], [1], [0, 0, 1, 1], [], []>, transpose_lhs_hint = false} : vector<512x256xf32>, vector<256x128xf32>, vector<512x128xf32> -> vector<512x128xf32>
    %get3A_65 = arith.constant 0 : index
    %get3A_66 = arith.constant 0 : index
    %get3A_67 = vector.load %arg10[%get3A_65, %get3A_66] : memref<1x128xf32, #tpu.memory_space<vmem>>, vector<1x128xf32>
    %add3A_68 = vector.broadcast %get3A_67 : vector<1x128xf32> to vector<512x128xf32>
    %add3A_69 = arith.addf %dot_general3A_64, %add3A_68 : vector<512x128xf32>
    %swap3A_70 = arith.constant 0 : index
    %swap3A_71 = arith.constant 0 : index
    %swap3A_72 = arith.constant 0 : index
    %swap3A_73 = vector.load %arg15[%swap3A_70, %swap3A_71, %swap3A_72] : memref<1x512x128xf32, #tpu.memory_space<vmem>>, vector<1x512x128xf32>
    %swap3A_74 = vector.shape_cast %swap3A_73 : vector<1x512x128xf32> to vector<512x128xf32>
    %swap3A_75 = vector.shape_cast %add3A_69 : vector<512x128xf32> to vector<1x512x128xf32>
    tpu.vector_store %arg15[%swap3A_70, %swap3A_71, %swap3A_72], %swap3A_75 {strides = array<i32>} : memref<1x512x128xf32, #tpu.memory_space<vmem>>, vector<1x512x128xf32>,
    %get3A_76 = arith.constant 0 : index
    %get3A_77 = arith.constant 0 : index
    %get3A_78 = vector.load %arg11[%get3A_76, %get3A_77] : memref<256x256xf32, #tpu.memory_space<vmem>>, vector<256x256xf32>
    %dot_general3A_79 = arith.constant dense<0.000000e+00> : vector<512x256xf32>
    %dot_general3A_80 = tpu.matmul %select_n3A, %get3A_78, %dot_general3A_79 {dimension_numbers = #tpu.dot_dimension_numbers<[1], [0], [0], [1], [0, 0, 1, 1], [], []>, transpose_lhs_hint = false} : vector<512x256xf32>, vector<256x256xf32>, vector<512x256xf32> -> vector<512x256xf32>
    %get3A_81 = arith.constant 0 : index
    %get3A_82 = arith.constant 0 : index
    %get3A_83 = vector.load %arg12[%get3A_81, %get3A_82] : memref<1x256xf32, #tpu.memory_space<vmem>>, vector<1x256xf32>
    %add3A_84 = vector.broadcast %get3A_83 : vector<1x256xf32> to vector<512x256xf32>
    %add3A_85 = arith.addf %dot_general3A_80, %add3A_84 : vector<512x256xf32>
    %swap3A_86 = arith.constant 0 : index
    %swap3A_87 = arith.constant 0 : index
    %swap3A_88 = arith.constant 0 : index
    %swap3A_89 = vector.load %arg16[%swap3A_86, %swap3A_87, %swap3A_88] : memref<1x512x256xf32, #tpu.memory_space<vmem>>, vector<1x512x256xf32>
    %swap3A_90 = vector.shape_cast %swap3A_89 : vector<1x512x256xf32> to vector<512x256xf32>
    %swap3A_91 = vector.shape_cast %add3A_85 : vector<512x256xf32> to vector<1x512x256xf32>
    tpu.vector_store %arg16[%swap3A_86, %swap3A_87, %swap3A_88], %swap3A_91 {strides = array<i32>} : memref<1x512x256xf32, #tpu.memory_space<vmem>>, vector<1x512x256xf32>,
    return
  }
  func.func @transform_0(%arg0: i32, %arg1: i32) -> (i32, i32, i32) {
    %c0_i32 = arith.constant 0 : i32
    %c0_i32_0 = arith.constant 0 : i32
    return %arg0, %arg1, %c0_i32 : i32, i32, i32
  }
  func.func @transform_1(%arg0: i32, %arg1: i32) -> (i32, i32) {
    %c0_i32 = arith.constant 0 : i32
    %c0_i32_0 = arith.constant 0 : i32
    %c0_i32_1 = arith.constant 0 : i32
    return %c0_i32, %c0_i32_0 : i32, i32
  }
  func.func @transform_2(%arg0: i32, %arg1: i32) -> (i32, i32) {
    %c0_i32 = arith.constant 0 : i32
    %c0_i32_0 = arith.constant 0 : i32
    %c0_i32_1 = arith.constant 0 : i32
    return %c0_i32, %c0_i32_0 : i32, i32
  }
  func.func @transform_3(%arg0: i32, %arg1: i32) -> (i32, i32) {
    %c0_i32 = arith.constant 0 : i32
    %c0_i32_0 = arith.constant 0 : i32
    %c0_i32_1 = arith.constant 0 : i32
    return %c0_i32, %c0_i32_0 : i32, i32
  }
  func.func @transform_4(%arg0: i32, %arg1: i32) -> (i32, i32) {
    %c0_i32 = arith.constant 0 : i32
    %c0_i32_0 = arith.constant 0 : i32
    %c0_i32_1 = arith.constant 0 : i32
    return %c0_i32, %c0_i32_0 : i32, i32
  }
  func.func @transform_5(%arg0: i32, %arg1: i32) -> (i32, i32) {
    %c0_i32 = arith.constant 0 : i32
    %c0_i32_0 = arith.constant 0 : i32
    %c0_i32_1 = arith.constant 0 : i32
    return %c0_i32, %c0_i32_0 : i32, i32
  }
  func.func @transform_6(%arg0: i32, %arg1: i32) -> (i32, i32) {
    %c0_i32 = arith.constant 0 : i32
    %c0_i32_0 = arith.constant 0 : i32
    %c0_i32_1 = arith.constant 0 : i32
    return %c0_i32, %c0_i32_0 : i32, i32
  }
  func.func @transform_7(%arg0: i32, %arg1: i32) -> (i32, i32) {
    %c0_i32 = arith.constant 0 : i32
    %c0_i32_0 = arith.constant 0 : i32
    %c0_i32_1 = arith.constant 0 : i32
    return %c0_i32, %c0_i32_0 : i32, i32
  }
  func.func @transform_8(%arg0: i32, %arg1: i32) -> (i32, i32) {
    %c0_i32 = arith.constant 0 : i32
    %c0_i32_0 = arith.constant 0 : i32
    %c0_i32_1 = arith.constant 0 : i32
    return %c0_i32, %c0_i32_0 : i32, i32
  }
  func.func @transform_9(%arg0: i32, %arg1: i32) -> (i32, i32) {
    %c0_i32 = arith.constant 0 : i32
    %c0_i32_0 = arith.constant 0 : i32
    %c0_i32_1 = arith.constant 0 : i32
    return %c0_i32, %c0_i32_0 : i32, i32
  }
  func.func @transform_10(%arg0: i32, %arg1: i32) -> (i32, i32) {
    %c0_i32 = arith.constant 0 : i32
    %c0_i32_0 = arith.constant 0 : i32
    %c0_i32_1 = arith.constant 0 : i32
    return %c0_i32, %c0_i32_0 : i32, i32
  }
  func.func @transform_11(%arg0: i32, %arg1: i32) -> (i32, i32, i32) {
    %c0_i32 = arith.constant 0 : i32
    %c0_i32_0 = arith.constant 0 : i32
    return %arg0, %arg1, %c0_i32 : i32, i32, i32
  }
  func.func @transform_12(%arg0: i32, %arg1: i32) -> (i32, i32, i32) {
    %c0_i32 = arith.constant 0 : i32
    %c0_i32_0 = arith.constant 0 : i32
    return %arg0, %arg1, %c0_i32 : i32, i32, i32
  }
  func.func @transform_13(%arg0: i32, %arg1: i32) -> (i32, i32, i32) {
    %c0_i32 = arith.constant 0 : i32
    %c0_i32_0 = arith.constant 0 : i32
    return %arg0, %arg1, %c0_i32 : i32, i32, i32
  }
  func.func @transform_14(%arg0: i32, %arg1: i32) -> (i32, i32, i32) {
    %c0_i32 = arith.constant 0 : i32
    %c0_i32_0 = arith.constant 0 : i32
    return %arg0, %arg1, %c0_i32 : i32, i32, i32
  }
}

module attributes {stable_mosaic.version = 14 : i64} {
  func.func @_attn_body(%arg0: i32, %arg1: i32, %arg2: memref<1x256x128xf32, #tpu.memory_space<vmem>>, %arg3: memref<1x2048x128xf32, #tpu.memory_space<vmem>>, %arg4: memref<1x2048x256xf32, #tpu.memory_space<vmem>>, %arg5: memref<1x256x256xf32, #tpu.memory_space<vmem>>, %arg6: memref<1x1xf32, #tpu.memory_space<vmem>>, %arg7: memref<1x256x256xf32, #tpu.memory_space<vmem>>) attributes {dimension_semantics = [#tpu.dimension_semantics<arbitrary>, #tpu.dimension_semantics<arbitrary>], iteration_bounds = array<i64: 4, 8>, scalar_prefetch = 0 : i64, scratch_operands = 0 : i64, tpu.core_type = #tpu.core_type<tc>, window_params = [{transform_indices = @transform_0, window_bounds = array<i64: 1, 256, 128>}, {transform_indices = @transform_1, window_bounds = array<i64: 1, 2048, 128>}, {transform_indices = @transform_2, window_bounds = array<i64: 1, 2048, 256>}, {transform_indices = @transform_3, window_bounds = array<i64: 1, 256, 256>}, {pipeline_mode = #tpu.pipeline_mode<synchronous>, transform_indices = @transform_4, window_bounds = array<i64: 1, 1>}, {transform_indices = @transform_5, window_bounds = array<i64: 1, 256, 256>}]} {
    %get3A = arith.constant 0 : index
    %get3A_0 = arith.constant 0 : index
    %get3A_1 = arith.constant 0 : index
    %get3A_2 = vector.load %arg2[%get3A, %get3A_0, %get3A_1] : memref<1x256x128xf32, #tpu.memory_space<vmem>>, vector<1x256x128xf32>
    %get3A_3 = vector.shape_cast %get3A_2 : vector<1x256x128xf32> to vector<256x128xf32>
    %get3A_4 = arith.constant 0 : index
    %get3A_5 = arith.constant 0 : index
    %get3A_6 = arith.constant 0 : index
    %get3A_7 = vector.load %arg3[%get3A_4, %get3A_5, %get3A_6] : memref<1x2048x128xf32, #tpu.memory_space<vmem>>, vector<1x2048x128xf32>
    %get3A_8 = vector.shape_cast %get3A_7 : vector<1x2048x128xf32> to vector<2048x128xf32>
    %dot_general3A = arith.constant dense<0.000000e+00> : vector<256x2048xf32>
    %dot_general3A_9 = tpu.matmul %get3A_3, %get3A_8, %dot_general3A {dimension_numbers = #tpu.dot_dimension_numbers<[1], [1], [0], [0], [0, 0, 1, 0], [], []>, transpose_lhs_hint = false} : vector<256x128xf32>, vector<2048x128xf32>, vector<256x2048xf32> -> vector<256x2048xf32>
    %reduce_max3A = arith.constant dense<0xFF800000> : vector<256xf32>
    %reduce_max3A_10 = vector.multi_reduction <maximumf>, %dot_general3A_9, %reduce_max3A [1] : vector<256x2048xf32> to vector<256xf32>
    %broadcast_in_dim3A = vector.shape_cast %reduce_max3A_10 : vector<256xf32> to vector<256x1xf32>
    %sub3A = vector.broadcast %broadcast_in_dim3A : vector<256x1xf32> to vector<256x2048xf32>
    %sub3A_11 = arith.subf %dot_general3A_9, %sub3A : vector<256x2048xf32>
    %exp3A = math.exp %sub3A_11 : vector<256x2048xf32>
    %reduce_sum3A = arith.constant dense<0.000000e+00> : vector<256xf32>
    %reduce_sum3A_12 = vector.multi_reduction <add>, %exp3A, %reduce_sum3A [1] : vector<256x2048xf32> to vector<256xf32>
    %broadcast_in_dim3A_13 = vector.shape_cast %reduce_sum3A_12 : vector<256xf32> to vector<256x1xf32>
    %div3A = vector.broadcast %broadcast_in_dim3A_13 : vector<256x1xf32> to vector<256x2048xf32>
    %div3A_14 = arith.divf %exp3A, %div3A : vector<256x2048xf32>
    %get3A_15 = arith.constant 0 : index
    %get3A_16 = arith.constant 0 : index
    %get3A_17 = arith.constant 0 : index
    %get3A_18 = vector.load %arg4[%get3A_15, %get3A_16, %get3A_17] : memref<1x2048x256xf32, #tpu.memory_space<vmem>>, vector<1x2048x256xf32>
    %get3A_19 = vector.shape_cast %get3A_18 : vector<1x2048x256xf32> to vector<2048x256xf32>
    %dot_general3A_20 = arith.constant dense<0.000000e+00> : vector<256x256xf32>
    %dot_general3A_21 = tpu.matmul %div3A_14, %get3A_19, %dot_general3A_20 {dimension_numbers = #tpu.dot_dimension_numbers<[1], [0], [0], [1], [0, 0, 1, 1], [], []>, transpose_lhs_hint = false} : vector<256x2048xf32>, vector<2048x256xf32>, vector<256x256xf32> -> vector<256x256xf32>
    %get3A_22 = arith.constant 0 : index
    %get3A_23 = arith.constant 0 : index
    %get3A_24 = vector.load %arg6[%get3A_22, %get3A_23] : memref<1x1xf32, #tpu.memory_space<vmem>>, vector<1x1xf32>
    %get3A_25 = vector.extract %get3A_24[0, 0] : f32 from vector<1x1xf32>
    %mul3A = vector.broadcast %get3A_25 : f32 to vector<256x256xf32>
    %mul3A_26 = arith.mulf %mul3A, %dot_general3A_21 : vector<256x256xf32>
    %get3A_27 = arith.constant 0 : index
    %get3A_28 = arith.constant 0 : index
    %get3A_29 = arith.constant 0 : index
    %get3A_30 = vector.load %arg5[%get3A_27, %get3A_28, %get3A_29] : memref<1x256x256xf32, #tpu.memory_space<vmem>>, vector<1x256x256xf32>
    %get3A_31 = vector.shape_cast %get3A_30 : vector<1x256x256xf32> to vector<256x256xf32>
    %add3A = arith.addf %mul3A_26, %get3A_31 : vector<256x256xf32>
    %swap3A = arith.constant 0 : index
    %swap3A_32 = arith.constant 0 : index
    %swap3A_33 = arith.constant 0 : index
    %swap3A_34 = vector.load %arg7[%swap3A, %swap3A_32, %swap3A_33] : memref<1x256x256xf32, #tpu.memory_space<vmem>>, vector<1x256x256xf32>
    %swap3A_35 = vector.shape_cast %swap3A_34 : vector<1x256x256xf32> to vector<256x256xf32>
    %swap3A_36 = vector.shape_cast %add3A : vector<256x256xf32> to vector<1x256x256xf32>
    tpu.vector_store %arg7[%swap3A, %swap3A_32, %swap3A_33], %swap3A_36 {strides = array<i32>} : memref<1x256x256xf32, #tpu.memory_space<vmem>>, vector<1x256x256xf32>,
    return
  }
  func.func @transform_0(%arg0: i32, %arg1: i32) -> (i32, i32, i32) {
    %c0_i32 = arith.constant 0 : i32
    %c0_i32_0 = arith.constant 0 : i32
    return %arg0, %arg1, %c0_i32 : i32, i32, i32
  }
  func.func @transform_1(%arg0: i32, %arg1: i32) -> (i32, i32, i32) {
    %c0_i32 = arith.constant 0 : i32
    %c0_i32_0 = arith.constant 0 : i32
    %c0_i32_1 = arith.constant 0 : i32
    return %arg0, %c0_i32, %c0_i32_0 : i32, i32, i32
  }
  func.func @transform_2(%arg0: i32, %arg1: i32) -> (i32, i32, i32) {
    %c0_i32 = arith.constant 0 : i32
    %c0_i32_0 = arith.constant 0 : i32
    %c0_i32_1 = arith.constant 0 : i32
    return %arg0, %c0_i32, %c0_i32_0 : i32, i32, i32
  }
  func.func @transform_3(%arg0: i32, %arg1: i32) -> (i32, i32, i32) {
    %c0_i32 = arith.constant 0 : i32
    %c0_i32_0 = arith.constant 0 : i32
    return %arg0, %arg1, %c0_i32 : i32, i32, i32
  }
  func.func @transform_4(%arg0: i32, %arg1: i32) -> (i32, i32) {
    %c0_i32 = arith.constant 0 : i32
    %c0_i32_0 = arith.constant 0 : i32
    %c0_i32_1 = arith.constant 0 : i32
    return %c0_i32, %c0_i32_0 : i32, i32
  }
  func.func @transform_5(%arg0: i32, %arg1: i32) -> (i32, i32, i32) {
    %c0_i32 = arith.constant 0 : i32
    %c0_i32_0 = arith.constant 0 : i32
    return %arg0, %arg1, %c0_i32 : i32, i32, i32
  }
}

</mosaic_0001>

<sc_bundles>
// kernel: kernel.33.cloned.1.call-start
scs
__scs_entry_jumppad:
0x0: {  	(pc) =	sbr.rel $0x88, $3  }
0x1: {  	(tag) =	ssettag $0x0;
	lr =	simm.s32 $0x1  }
0x2: {  	[smem:$0x3F81] =	sst lr;
	_ =	strace $0xD0000000  }
0x3: {  	_ = 	snop  }
0x4: {  	_ = 	snop  }
0x5: {  	_ = 	snop  }
0x6: {  	_ = 	snop  }
0x7: {  	_ = 	snop  }
__scs_overlays_trampoline_lowered:
0x8: {  	[smem:$0x3F90] =	sst s0  }
0x9: {  	[smem:$0x3F91] =	sst s1  }
0xa: {  	[smem:$0x3F92] =	sst s2  }
0xb: {  	[smem:$0x3F93] =	sst s3  }
0xc: {  	[smem:$0x3F94] =	sst s4  }
0xd: {  	[smem:$0x3F95] =	sst s5  }
0xe: {  	[smem:$0x3F96] =	sst s6  }
0xf: {  	[smem:$0x3F97] =	sst s7  }
0x10: {  	[smem:$0x3F98] =	sst s8  }
0x11: {  	[smem:$0x3F99] =	sst s9;
	s0 =	simm.s32 @!p0 $0x0  }
0x12: {  	s1 =	sld [smem:$0x3F7F];
	s0 =	simm.s32 @p0 $0x1  }
0x13: {  	[smem:$0x3F9A] =	sst s0;
	s0 =	simm.s32 @!p1 $0x0  }
0x14: {  	s2 =	sld [smem:$0x3F7E];
	s0 =	simm.s32 @p1 $0x1  }
0x15: {  	[smem:$0x3F9B] =	sst s0;
	s0 =	simm.s32 @!p2 $0x0  }
0x16: {  	s3 =	sld [smem:$0x3FDB];
	s0 =	simm.s32 @p2 $0x1  }
0x17: {  	s4 =	simm.s32 $0x1BF5;
	[smem:$0x3F9D] =	sst s0  }
0x18: {  	s0 =	sld [smem:$0x3F80];
	_ =	swait.ge [sflag:s4], $0x0  }
0x19: {  	s7 =	sld [smem:$0x3F81]  }
0x1a: {  	s8 =	sadd.s32 $0xFFFFE003, lr  }
0x1b: {  	s9 =	sadd.s32 $0xFFFFFEF7, lr;
	s5 =	simm.s32 $0xFFFFFFFF;
	p2 =	slt.u32 s8, $0xFFFFF086  }
0x1c: {  	p1 =	slt.u32 s9, $0xF7A;
	s5 =	simm.s32 @!p2 $0x0  }
0x1d: {  	s5 =	simm.s32 @p1 $0x1;
	p0 =	seq.s32 s7, s2  }
0x1e: {  	s7 =	smul.u32 @!p0 $0xF7A, s2;
	p2 =	seq.s32 @!p0 s5, $0x0  }
0x1f: {  	s9 =	smul.u32 $0xF7A, s1;
	s8 =	simm.s32 @!p0 $0x1BF5;
	p2 =	por !p2, p0  }
0x20: {  	[sflag:s8] =	ssyncset.s32 @!p0 $0xFFFFF086;
	s6 =	sadd.s32 @!p0 s3, s7;
	s7 =	simm.s32 @!p0 $0x108  }
0x21: {  	s3 =	sadd.s32 s3, s9;
	s6 =	sadd.s32 @!p0 $0x88, s6;
	s7 =	simm.s32 @p2 $0x1082  }
0x22: {  	[simem:s7], [sflag:s8] =	dma.local @!p0 [hbm:s6], $0xF7A  }
0x23: {  	s9 =	sor.u32 $0xD0000000, s2;
	s6 =	simm.s32 $0x108;
	_ =	swait.ge @!p0 [sflag:s8], $0x0  }
0x24: {  	s3 =	sadd.s32 $0x88, s3;
	s6 =	simm.s32 @!p1 $0x1082;
	[sflag:s4] =	ssyncset.s32 $0xFFFFF086  }
0x25: {  	[simem:s6], [sflag:s4] =	dma.local [hbm:s3], $0xF7A  }
0x26: {  	[smem:$0x3F81] =	sst s1;
	(tag) =	ssettag s2;
	_ =	strace s9  }
0x27: {  	s1 =	sld [smem:$0x3F91]  }
0x28: {  	s2 =	sld [smem:$0x3F92]  }
0x29: {  	s4 =	sld [smem:$0x3F94]  }
0x2a: {  	p0 =	seq.s32 s5, $0x0;
	s5 =	sld [smem:$0x3F95]  }
0x2b: {  	s6 =	sld [smem:$0x3F96]  }
0x2c: {  	s7 =	sld [smem:$0x3F97]  }
0x2d: {  	s3 =	simm.s32 $0x108;
	s8 =	sld [smem:$0x3F98]  }
0x2e: {  	s3 =	simm.s32 @!p0 $0x1082;
	s9 =	sld [smem:$0x3F99]  }
0x2f: {  	lr =	sadd.s32 s0, s3;
	s0 =	sld [smem:$0x3F90]  }
0x30: {  	s3 =	sld [smem:$0x3F93]  }
0x31: {  	[smem:$0x3F9C] =	sst s10  }
0x32: {  	s10 =	sld [smem:$0x3F9A];
	_ =	sdelay $0x3  }
0x33: {  	p0 =	seq.s32 s10, $0x1;
	s10 =	sld [smem:$0x3F9C];
	_ =	sdelay $0x3  }
0x34: {  	[smem:$0x3F9C] =	sst s10  }
0x35: {  	s10 =	sld [smem:$0x3F9B];
	_ =	sdelay $0x3  }
0x36: {  	p1 =	seq.s32 s10, $0x1;
	s10 =	sld [smem:$0x3F9C];
	_ =	sdelay $0x3  }
0x37: {  	[smem:$0x3F9C] =	sst s10  }
0x38: {  	s10 =	sld [smem:$0x3F9D]  }
0x39: {  	_ = 	snop;
	(pc) =	sbr.ind lr, $3  }
0x3a: {  	_ = 	snop  }
0x3b: {  	_ = 	snop  }
0x3c: {  	p2 =	seq.s32 s10, $0x1;
	s10 =	sld [smem:$0x3F9C]  }
0x3d: {  	_ =	shalt  }
0x3e: {  	_ =	shalt  }
0x3f: {  	_ =	shalt  }
0x40: {  	_ =	shalt  }
0x41: {  	_ =	shalt  }
0x42: {  	_ =	shalt  }
0x43: {  	_ =	shalt  }
0x44: {  	_ =	shalt  }
0x45: {  	_ =	shalt  }
0x46: {  	_ =	shalt  }
0x47: {  	_ =	shalt  }
0x48: {  	_ =	shalt  }
0x49: {  	_ =	shalt  }
0x4a: {  	_ =	shalt  }
0x4b: {  	_ =	shalt  }
0x4c: {  	_ =	shalt  }
0x4d: {  	_ =	shalt  }
0x4e: {  	_ =	shalt  }
0x4f: {  	_ =	shalt  }
0x50: {  	_ =	shalt  }
0x51: {  	_ =	shalt  }
0x52: {  	_ =	shalt  }
0x53: {  	_ =	shalt  }
0x54: {  	_ =	shalt  }
0x55: {  	_ =	shalt  }
0x56: {  	_ =	shalt  }
0x57: {  	_ =	shalt  }
0x58: {  	_ =	shalt  }
0x59: {  	_ =	shalt  }
0x5a: {  	_ =	shalt  }
0x5b: {  	_ =	shalt  }
0x5c: {  	_ =	shalt  }
0x5d: {  	_ =	shalt  }
0x5e: {  	_ =	shalt  }
0x5f: {  	_ =	shalt  }
0x60: {  	_ =	shalt  }
0x61: {  	_ =	shalt  }
0x62: {  	_ =	shalt  }
0x63: {  	_ =	shalt  }
0x64: {  	_ =	shalt  }
0x65: {  	_ =	shalt  }
0x66: {  	_ =	shalt  }
0x67: {  	_ =	shalt  }
0x68: {  	_ =	shalt  }
0x69: {  	_ =	shalt  }
0x6a: {  	_ =	shalt  }
0x6b: {  	_ =	shalt  }
0x6c: {  	_ =	shalt  }
0x6d: {  	_ =	shalt  }
0x6e: {  	_ =	shalt  }
0x6f: {  	_ =	shalt  }
0x70: {  	_ =	shalt  }
0x71: {  	_ =	shalt  }
0x72: {  	_ =	shalt  }
0x73: {  	_ =	shalt  }
0x74: {  	_ =	shalt  }
0x75: {  	_ =	shalt  }
0x76: {  	_ =	shalt  }
0x77: {  	_ =	shalt  }
0x78: {  	_ =	shalt  }
0x79: {  	_ =	shalt  }
0x7a: {  	_ =	shalt  }
0x7b: {  	_ =	shalt  }
0x7c: {  	_ =	shalt  }
0x7d: {  	_ =	shalt  }
0x7e: {  	_ =	shalt  }
0x7f: {  	_ =	shalt  }
0x80: {  	_ =	shalt  }
0x81: {  	_ =	shalt  }
0x82: {  	_ =	shalt  }
0x83: {  	_ =	shalt  }
0x84: {  	_ =	shalt  }
0x85: {  	_ =	shalt  }
0x86: {  	_ =	shalt  }
0x87: {  	_ =	shalt  }
.Lfunc_end0:
.L_simem_size_0:
called_computation_lowered:
.L_overlay_start_0:
0x88: {  	s2 =	sld [smem:$0x3FD9]  }
0x89: {  	s3 =	sld [smem:$0x3FFE];
	_ =	sdelay $0x1  }
0x8a: {  	s1 =	srdreg.scid  }
0x8b: {  	s0 =	sand.u32 $0x1, s1  }
0x8c: {  	s14 =	sshll.u32 s0, $0xA;
	s2 =	sadd.s32 s3, s2  }
0x8d: {  	s2 =	sadd.s32 s2, s14  }
0x8e: {  	[smem:$0x3FA8] =	sst s2  }
0x8f: {  	_ = 	snop  }
0x90: {  	s2 =	sld [smem:$0x3FD0];
	_ =	sdelay $0x2  }
0x91: {  	s15 =	simm.s32 $0xA;
	s4 =	simm.s32 $0x10  }
0x92: {  	[smem:s4], [sflag:s15] =	dma.local [hbm:s2], $0x1  }
0x93: {  	_ =	swait.eq [sflag:s15], $0x1  }
0x94: {  	[sflag:s15] =	ssyncset.done $0x0  }
0x95: {  	s16 =	sld [smem:$0x10];
	[sflag:s15] =	ssyncadd.s32 $0xFFFFFFFF  }
0x96: {  	s17 =	sld [smem:$0x11];
	(tm) =	ssettm $0x1  }
0x97: {  	s18 =	sld [smem:$0x3FFB];
	_ =	sdelay $0x3  }
0x98: {  	_ =	strace s18  }
0x99: {  	s4 =	sld [smem:$0x3FFC];
	_ =	sdelay $0x3  }
0x9a: {  	_ =	strace s4  }
0x9b: {  	s4 =	sld [smem:$0x3FFD];
	_ =	sdelay $0x3  }
0x9c: {  	_ =	strace s4  }
0x9d: {  	_ =	strace $0x8FFFFFFF  }
0x9e: {  	s19 =	sld [smem:$0x3FDB];
	_ =	sdelay $0x1  }
0x9f: {  	s5 =	simm.s32 $_scs_section_size  }
0xa0: {  	s6 =	simm.s32 $_size__tile_overlayer_lowered;
	s7 =	simm.s32 $_tile_overlayer_lowered  }
0xa1: {  	s22 =	simm.s32 $0x1BFF;
	s21 =	sshll.u32 s7, $0x1;
	s4 =	sadd.s32 s5, s19  }
0xa2: {  	s8 =	simm.s32 $0x0;
	s20 =	sshll.u32 s6, $0x1;
	s6 =	sadd.s32 s21, s4  }
0xa3: {  	[timem:s8], [sflag:s22] =	dma.local [hbm:s6], s20  }
0xa4: {  	_ =	swait.ge [sflag:s22], s20  }
0xa5: {  	s5 =	ssub.s32 $0x0, s20;
	[sflag:s22] =	ssyncset.done $0x0  }
0xa6: {  	[sflag:s22] =	ssyncadd.s32 s5;
	_ =	sdelay $0x1  }
0xa7: {  	s23 =	simm.s32 $0x1B8B  }
0xa8: {  	_ =	swait.ge [sflag:s23], $0x1  }
0xa9: {  	[sflag:s23] =	ssyncset.done $0x0  }
0xaa: {  	s25 =	simm.s32 $0x1B8E;
	s24 =	sld [smem:$0x3FFE];
	[sflag:s23] =	ssyncadd.s32 $0xFFFFFFFF  }
0xab: {  	s26 =	simm.s32 $execute0_lowered;
	[smem:$0x3FD2] =	sst s25  }
0xac: {  	s6 =	sshll.u32 s26, $0x1;
	_ =	strace $0x80000046;
	[dreg:$0x1] =	wrdreg $0xFFFFFFFF  }
0xad: {  	s28 =	simm.s32 $_size_execute0_lowered;
	s4 =	sadd.s32 s4, s6;
	[dreg:$0x0] =	wrdreg $0x0  }
0xae: {  	s6 =	sshll.u32 s28, $0x1;
	[dreg:$0x2] =	wrdreg s4  }
0xaf: {  	[dreg:$0x3] =	wrdreg s6  }
0xb0: {  	[dreg:$0x4] =	wrdreg $0xC0  }
0xb1: {  	_ =	task [dreg:s8], $0x5FFFF  }
0xb2: {  	[dreg:$0x1] =	wrdreg $0xFFFFFFFF  }
0xb3: {  	[dreg:$0x0] =	wrdreg $0x60  }
0xb4: {  	[dreg:$0x2] =	wrdreg s17  }
0xb5: {  	[dreg:$0x3] =	wrdreg s16  }
0xb6: {  	[dreg:$0x4] =	wrdreg s24  }
0xb7: {  	[dreg:$0x5] =	wrdreg $0x9  }
0xb8: {  	_ =	task.clear_ibuf [dreg:s8], $0x6FFFF;
	_ =	strace $0x90000046  }
0xb9: {  	s29 =	simm.s32 $0x9;
	_ =	strace $0x80000048  }
0xba: {  	_ =	swait.ge [sflag:s29], $0x1  }
0xbb: {  	[sflag:s29] =	ssyncadd.s32 $0xFFFFFFFF  }
0xbc: {  	_ =	strace $0x90000048  }
0xbd: {  	_ =	sfence  }
0xbe: {  	s30 =	sld [smem:$0x0];
	_ =	sdelay $0x2  }
0xbf: {  	s31 =	sshll.u32 s1, $0xD;
	s1 =	sshrl.u32 s1, $0x2  }
0xc0: {  	s3 =	sand.u32 $0x4000, s31;
	s1 =	sadd.s32 s1, s30  }
0xc1: {  	s0 =	sor.u32 s3, s0;
	s1 =	sshll.u32 s1, $0x11  }
0xc2: {  	s0 =	sor.u32 s1, s0  }
0xc3: {  	s0 =	sadd.s32 $0x8F2B, s0  }
0xc4: {  	[sflag:s0] =	ssyncadd.remote.s32 $0x1  }
0xc5: {  	_ =	sfence.sel $0xFFFF  }
0xc6: {  	[dreg:$0x0] =	wrdreg $0xFFFFFFFF;
	(pc) =	sbr.abs _section_cstart, $3  }
0xc7: {  	[dreg:$0x1] =	wrdreg $0xFFFFFFFF  }
0xc8: {  	_ =	task.clear_ibuf [dreg:s8], $0x2FFFF;
	_ =	strace $0x9FFFFFFF  }
0xc9: {  	(tm) =	ssettm $0x7FFFFFFF  }
tec
execute0_lowered:
.L_overlay_start_1:
0x0: {  	(tag) =	ssettag $0x1  }
0x1: {  	s2 =	rddreg [dreg:$0x0]  }
0x2: {  	s6 =	rddreg [dreg:$0x1]  }
0x3: {  	s4 =	rddreg [dreg:$0x2]  }
0x4: {  	s0 =	rddreg [dreg:$0x3];
	s1 =	stileid.u32  }
0x5: {  	s7 =	srdreg.scid;
	s5 =	smul.u32 $0x28000, s1  }
0x6: {  	s3 =	simm.s32 $0x0;
	s7 =	sand.u32 $0x1, s7;
	s8 =	smul.u32 $0x2800, s1  }
0x7: {  	[smem:$0x7FF] =	sst s3;
	s9 =	ssub.s32 $0x2, s7;
	s10 =	smul.u32 $0x1400, s7  }
0x8: {  	s7 =	smul.u32 $0x14000, s7;
	_ =	strace $0x80000047;
	s30 =	sshrl.u32 s9, $0x1  }
0x9: {  	s5 =	sadd.s32 s5, s4;
	s4 =	ssub.s32 s9, s30;
	s8 =	sadd.s32 s10, s8  }
0xa: {  	s5 =	sadd.s32 s7, s5;
	s7 =	simm.s32 $0x2;
	s9 =	simm.s32 $0x1  }
0xb: {  	s10 =	simm.s32 $0x0;
	s4 =	smax.u32 s4, $0x1;
	s31 =	sshrl.u32 s8, $0x3  }
0xc: {  	s5 =	sadd.s32 $0x6A00, s5;
	s8 =	simm.s32 $0x80;
	s6 =	sadd.s32 s31, s6  }
.LBB2_1:
0xd: {  	s11 =	sadd.s32 $0x0, s6  }
0xe: {  	[tilespmem:s3], [sflag:$0x2] =	stream.linear.gather [hbm4b:s11+s3], $0x80, $0x38;
	[tilespmem:$0x4080] =	vst v63  }
0xf: {  	_ =	swait.ge [sflag:s7], $0x80  }
0x10: {  	[sflag:s7] =	ssyncset.done $0x0  }
0x11: {  	[sflag:s7] =	ssyncadd.s32 $0xFFFFFF80  }
0x12: {  	[tilespmem:s8], [sflag:$0x1] =	stream.indirect.gather [hbm4b:s2+s8], $0x80, s3, s8, $0xb8;
	[tilespmem:$0x4080] =	vst v63  }
0x13: {  	_ =	swait.ge [sflag:s9], $0x4000  }
0x14: {  	[sflag:s9] =	ssyncset.done $0x0  }
0x15: {  	[sflag:s9] =	ssyncadd.s32 $0xFFFFC000  }
0x16: {  	[hbm4b:s5+s3] =	stream.linear.scatter [tilespmem:s8], [sflag:$0x2], $0x4000, $0x38;
	[tilespmem:$0x4080] =	vst v63  }
0x17: {  	s12 =	simm.s32 $0x10;
	_ =	swait.ge [sflag:s7], $0x4000  }
0x18: {  	s13 =	simm.s32 $0x20;
	s11 =	sadd.s32 $0x800, s5;
	[sflag:s7] =	ssyncset.done $0x0  }
.LBB2_2:
0x19: {  	s14 =	sadd.s32 s12, s6  }
0x1a: {  	[sflag:s7] =	ssyncadd.s32 $0xFFFFC000;
	s12 =	smov.u32 s13;
	s15 =	sadd.s32 $0x10, s13  }
0x1b: {  	[tilespmem:s3], [sflag:$0x2] =	stream.linear.gather [hbm4b:s14+s3], $0x80, $0x38;
	[tilespmem:$0x4080] =	vst v63  }
0x1c: {  	p0 =	sne.s32 s13, $0x270;
	_ =	swait.ge [sflag:s7], $0x80  }
0x1d: {  	[sflag:s7] =	ssyncset.done $0x0  }
0x1e: {  	[sflag:s7] =	ssyncadd.s32 $0xFFFFFF80  }
0x1f: {  	[tilespmem:s8], [sflag:$0x1] =	stream.indirect.gather [hbm4b:s2+s8], $0x80, s3, s8, $0xb8;
	[tilespmem:$0x4080] =	vst v63  }
0x20: {  	_ =	swait.ge [sflag:s9], $0x4000  }
.Ltmp0:
0x21: {  	[sflag:s9] =	ssyncset.done $0x0;
	(pc) =	sbr.rel @p0 .LBB2_2-.Ltmp0, $4  }
0x22: {  	[sflag:s9] =	ssyncadd.s32 $0xFFFFC000  }
0x23: {  	[hbm4b:s11+s3] =	stream.linear.scatter [tilespmem:s8], [sflag:$0x2], $0x4000, $0x38;
	[tilespmem:$0x4080] =	vst v63  }
0x24: {  	_ =	swait.ge [sflag:s7], $0x4000  }
0x25: {  	s13 =	smov.u32 s15;
	s11 =	sadd.s32 $0x800, s11;
	[sflag:s7] =	ssyncset.done $0x0  }
0x26: {  	s12 =	sadd.s32 s12, s6;
	[sflag:s7] =	ssyncadd.s32 $0xFFFFC000  }
0x27: {  	[tilespmem:s3], [sflag:$0x2] =	stream.linear.gather [hbm4b:s12+s3], $0x80, $0x38;
	[tilespmem:$0x4080] =	vst v63  }
0x28: {  	_ =	swait.ge [sflag:s7], $0x80  }
0x29: {  	[sflag:s7] =	ssyncset.done $0x0  }
0x2a: {  	[sflag:s7] =	ssyncadd.s32 $0xFFFFFF80  }
0x2b: {  	[tilespmem:s8], [sflag:$0x1] =	stream.indirect.gather [hbm4b:s2+s8], $0x80, s3, s8, $0xb8;
	[tilespmem:$0x4080] =	vst v63  }
0x2c: {  	s10 =	sadd.s32 $0x1, s10;
	_ =	swait.ge [sflag:s9], $0x4000  }
0x2d: {  	p0 =	sne.s32 s10, s4;
	[sflag:s9] =	ssyncset.done $0x0  }
.Ltmp1:
0x2e: {  	[sflag:s9] =	ssyncadd.s32 $0xFFFFC000;
	(pc) =	sbr.rel @p0 .LBB2_1-.Ltmp1, $4  }
0x2f: {  	[hbm4b:s11+s3] =	stream.linear.scatter [tilespmem:s8], [sflag:$0x2], $0x4000, $0x38;
	[tilespmem:$0x4080] =	vst v63  }
0x30: {  	_ =	swait.ge [sflag:s7], $0x4000  }
0x31: {  	[sflag:s7] =	ssyncset.done $0x0  }
0x32: {  	[sflag:s7] =	ssyncadd.s32 $0xFFFFC000  }
0x33: {  	_ =	sfence.sel $0x180000  }
0x34: {  	[bflag:$0x0] =	sbarrier.arrive $0xFFFF  }
0x35: {  	p0 =	sne.s32 s1, $0x0;
	_ =	strace $0x90000047  }
0x36: {  	s0 =	sadd.s32 @!p0 $0x100000, s0;
	[bflag:$0x2] =	sbarrier.arrive $0xFFFF  }
0x37: {  	[sflag:s0] =	ssyncadd.tile.s32 @!p0 $0x1;
	_ =	shalt  }
.Lfunc_end2:
_tile_overlayer_lowered:
.L_overlay_start_2:
0x38: {  	(tag) =	ssettag $0x2  }
0x39: {  	s0 =	rddreg [dreg:$0x0];
	s2 =	stileid.u32  }
0x3a: {  	s1 =	rddreg [dreg:$0x1];
	p0 =	sne.s32 s2, $0x0  }
0x3b: {  	s3 =	rddreg [dreg:$0x2];
	[bflag:$0x3] =	sbarrier.arrive $0xFFFF;
	s2 =	simm.s32 @!p0 $0x1C02  }
0x3c: {  	[timem:s3], [sflag:s2] =	dma.local @!p0 [hbm:s0], s1  }
0x3d: {  	s0 =	simm.s32 @!p0 $0x2  }
0x3e: {  	_ =	swait.ge @!p0 [sflag:s0], s1  }
0x3f: {  	s1 =	ssub.s32 @!p0 $0x0, s1;
	[sflag:s0] =	ssyncset.done @!p0 $0x0  }
0x40: {  	[sflag:s0] =	ssyncadd.s32 @!p0 s1  }
0x41: {  	[bflag:$0x3] =	sbarrier.arrive $0xFFFF  }
0x42: {  	_ =	shalt  }

// kernel: kernel.36.cloned.1.call-start
scs
__scs_entry_jumppad:
0x0: {  	(pc) =	sbr.rel $0x88, $3  }
0x1: {  	(tag) =	ssettag $0x0;
	lr =	simm.s32 $0x1  }
0x2: {  	[smem:$0x3F81] =	sst lr;
	_ =	strace $0xD0000000  }
0x3: {  	_ = 	snop  }
0x4: {  	_ = 	snop  }
0x5: {  	_ = 	snop  }
0x6: {  	_ = 	snop  }
0x7: {  	_ = 	snop  }
__scs_overlays_trampoline_lowered:
0x8: {  	[smem:$0x3F90] =	sst s0  }
0x9: {  	[smem:$0x3F91] =	sst s1  }
0xa: {  	[smem:$0x3F92] =	sst s2  }
0xb: {  	[smem:$0x3F93] =	sst s3  }
0xc: {  	[smem:$0x3F94] =	sst s4  }
0xd: {  	[smem:$0x3F95] =	sst s5  }
0xe: {  	[smem:$0x3F96] =	sst s6  }
0xf: {  	[smem:$0x3F97] =	sst s7  }
0x10: {  	[smem:$0x3F98] =	sst s8  }
0x11: {  	[smem:$0x3F99] =	sst s9;
	s0 =	simm.s32 @!p0 $0x0  }
0x12: {  	s1 =	sld [smem:$0x3F7F];
	s0 =	simm.s32 @p0 $0x1  }
0x13: {  	[smem:$0x3F9A] =	sst s0;
	s0 =	simm.s32 @!p1 $0x0  }
0x14: {  	s2 =	sld [smem:$0x3F7E];
	s0 =	simm.s32 @p1 $0x1  }
0x15: {  	[smem:$0x3F9B] =	sst s0;
	s0 =	simm.s32 @!p2 $0x0  }
0x16: {  	s3 =	sld [smem:$0x3FDB];
	s0 =	simm.s32 @p2 $0x1  }
0x17: {  	s4 =	simm.s32 $0x1BF5;
	[smem:$0x3F9D] =	sst s0  }
0x18: {  	s0 =	sld [smem:$0x3F80];
	_ =	swait.ge [sflag:s4], $0x0  }
0x19: {  	s7 =	sld [smem:$0x3F81]  }
0x1a: {  	s8 =	sadd.s32 $0xFFFFE003, lr  }
0x1b: {  	s9 =	sadd.s32 $0xFFFFFEF7, lr;
	s5 =	simm.s32 $0xFFFFFFFF;
	p2 =	slt.u32 s8, $0xFFFFF086  }
0x1c: {  	p1 =	slt.u32 s9, $0xF7A;
	s5 =	simm.s32 @!p2 $0x0  }
0x1d: {  	s5 =	simm.s32 @p1 $0x1;
	p0 =	seq.s32 s7, s2  }
0x1e: {  	s7 =	smul.u32 @!p0 $0xF7A, s2;
	p2 =	seq.s32 @!p0 s5, $0x0  }
0x1f: {  	s9 =	smul.u32 $0xF7A, s1;
	s8 =	simm.s32 @!p0 $0x1BF5;
	p2 =	por !p2, p0  }
0x20: {  	[sflag:s8] =	ssyncset.s32 @!p0 $0xFFFFF086;
	s6 =	sadd.s32 @!p0 s3, s7;
	s7 =	simm.s32 @!p0 $0x108  }
0x21: {  	s3 =	sadd.s32 s3, s9;
	s6 =	sadd.s32 @!p0 $0x88, s6;
	s7 =	simm.s32 @p2 $0x1082  }
0x22: {  	[simem:s7], [sflag:s8] =	dma.local @!p0 [hbm:s6], $0xF7A  }
0x23: {  	s9 =	sor.u32 $0xD0000000, s2;
	s6 =	simm.s32 $0x108;
	_ =	swait.ge @!p0 [sflag:s8], $0x0  }
0x24: {  	s3 =	sadd.s32 $0x88, s3;
	s6 =	simm.s32 @!p1 $0x1082;
	[sflag:s4] =	ssyncset.s32 $0xFFFFF086  }
0x25: {  	[simem:s6], [sflag:s4] =	dma.local [hbm:s3], $0xF7A  }
0x26: {  	[smem:$0x3F81] =	sst s1;
	(tag) =	ssettag s2;
	_ =	strace s9  }
0x27: {  	s1 =	sld [smem:$0x3F91]  }
0x28: {  	s2 =	sld [smem:$0x3F92]  }
0x29: {  	s4 =	sld [smem:$0x3F94]  }
0x2a: {  	p0 =	seq.s32 s5, $0x0;
	s5 =	sld [smem:$0x3F95]  }
0x2b: {  	s6 =	sld [smem:$0x3F96]  }
0x2c: {  	s7 =	sld [smem:$0x3F97]  }
0x2d: {  	s3 =	simm.s32 $0x108;
	s8 =	sld [smem:$0x3F98]  }
0x2e: {  	s3 =	simm.s32 @!p0 $0x1082;
	s9 =	sld [smem:$0x3F99]  }
0x2f: {  	lr =	sadd.s32 s0, s3;
	s0 =	sld [smem:$0x3F90]  }
0x30: {  	s3 =	sld [smem:$0x3F93]  }
0x31: {  	[smem:$0x3F9C] =	sst s10  }
0x32: {  	s10 =	sld [smem:$0x3F9A];
	_ =	sdelay $0x3  }
0x33: {  	p0 =	seq.s32 s10, $0x1;
	s10 =	sld [smem:$0x3F9C];
	_ =	sdelay $0x3  }
0x34: {  	[smem:$0x3F9C] =	sst s10  }
0x35: {  	s10 =	sld [smem:$0x3F9B];
	_ =	sdelay $0x3  }
0x36: {  	p1 =	seq.s32 s10, $0x1;
	s10 =	sld [smem:$0x3F9C];
	_ =	sdelay $0x3  }
0x37: {  	[smem:$0x3F9C] =	sst s10  }
0x38: {  	s10 =	sld [smem:$0x3F9D]  }
0x39: {  	_ = 	snop;
	(pc) =	sbr.ind lr, $3  }
0x3a: {  	_ = 	snop  }
0x3b: {  	_ = 	snop  }
0x3c: {  	p2 =	seq.s32 s10, $0x1;
	s10 =	sld [smem:$0x3F9C]  }
0x3d: {  	_ =	shalt  }
0x3e: {  	_ =	shalt  }
0x3f: {  	_ =	shalt  }
0x40: {  	_ =	shalt  }
0x41: {  	_ =	shalt  }
0x42: {  	_ =	shalt  }
0x43: {  	_ =	shalt  }
0x44: {  	_ =	shalt  }
0x45: {  	_ =	shalt  }
0x46: {  	_ =	shalt  }
0x47: {  	_ =	shalt  }
0x48: {  	_ =	shalt  }
0x49: {  	_ =	shalt  }
0x4a: {  	_ =	shalt  }
0x4b: {  	_ =	shalt  }
0x4c: {  	_ =	shalt  }
0x4d: {  	_ =	shalt  }
0x4e: {  	_ =	shalt  }
0x4f: {  	_ =	shalt  }
0x50: {  	_ =	shalt  }
0x51: {  	_ =	shalt  }
0x52: {  	_ =	shalt  }
0x53: {  	_ =	shalt  }
0x54: {  	_ =	shalt  }
0x55: {  	_ =	shalt  }
0x56: {  	_ =	shalt  }
0x57: {  	_ =	shalt  }
0x58: {  	_ =	shalt  }
0x59: {  	_ =	shalt  }
0x5a: {  	_ =	shalt  }
0x5b: {  	_ =	shalt  }
0x5c: {  	_ =	shalt  }
0x5d: {  	_ =	shalt  }
0x5e: {  	_ =	shalt  }
0x5f: {  	_ =	shalt  }
0x60: {  	_ =	shalt  }
0x61: {  	_ =	shalt  }
0x62: {  	_ =	shalt  }
0x63: {  	_ =	shalt  }
0x64: {  	_ =	shalt  }
0x65: {  	_ =	shalt  }
0x66: {  	_ =	shalt  }
0x67: {  	_ =	shalt  }
0x68: {  	_ =	shalt  }
0x69: {  	_ =	shalt  }
0x6a: {  	_ =	shalt  }
0x6b: {  	_ =	shalt  }
0x6c: {  	_ =	shalt  }
0x6d: {  	_ =	shalt  }
0x6e: {  	_ =	shalt  }
0x6f: {  	_ =	shalt  }
0x70: {  	_ =	shalt  }
0x71: {  	_ =	shalt  }
0x72: {  	_ =	shalt  }
0x73: {  	_ =	shalt  }
0x74: {  	_ =	shalt  }
0x75: {  	_ =	shalt  }
0x76: {  	_ =	shalt  }
0x77: {  	_ =	shalt  }
0x78: {  	_ =	shalt  }
0x79: {  	_ =	shalt  }
0x7a: {  	_ =	shalt  }
0x7b: {  	_ =	shalt  }
0x7c: {  	_ =	shalt  }
0x7d: {  	_ =	shalt  }
0x7e: {  	_ =	shalt  }
0x7f: {  	_ =	shalt  }
0x80: {  	_ =	shalt  }
0x81: {  	_ =	shalt  }
0x82: {  	_ =	shalt  }
0x83: {  	_ =	shalt  }
0x84: {  	_ =	shalt  }
0x85: {  	_ =	shalt  }
0x86: {  	_ =	shalt  }
0x87: {  	_ =	shalt  }
.Lfunc_end0:
.L_simem_size_0:
called_computation.1_lowered:
.L_overlay_start_0:
0x88: {  	s2 =	sld [smem:$0x3FD9]  }
0x89: {  	s3 =	sld [smem:$0x3FFE];
	_ =	sdelay $0x1  }
0x8a: {  	s1 =	srdreg.scid  }
0x8b: {  	s0 =	sand.u32 $0x1, s1  }
0x8c: {  	s14 =	sshll.u32 s0, $0xA;
	s2 =	sadd.s32 s3, s2  }
0x8d: {  	s2 =	sadd.s32 s2, s14  }
0x8e: {  	[smem:$0x3FA8] =	sst s2  }
0x8f: {  	_ = 	snop  }
0x90: {  	s2 =	sld [smem:$0x3FD0];
	_ =	sdelay $0x2  }
0x91: {  	s15 =	simm.s32 $0xA;
	s4 =	simm.s32 $0x10  }
0x92: {  	[smem:s4], [sflag:s15] =	dma.local [hbm:s2], $0x1  }
0x93: {  	_ =	swait.eq [sflag:s15], $0x1  }
0x94: {  	[sflag:s15] =	ssyncset.done $0x0  }
0x95: {  	s16 =	sld [smem:$0x10];
	[sflag:s15] =	ssyncadd.s32 $0xFFFFFFFF  }
0x96: {  	s17 =	sld [smem:$0x11];
	(tm) =	ssettm $0x1  }
0x97: {  	s18 =	sld [smem:$0x3FFB];
	_ =	sdelay $0x3  }
0x98: {  	_ =	strace s18  }
0x99: {  	s4 =	sld [smem:$0x3FFC];
	_ =	sdelay $0x3  }
0x9a: {  	_ =	strace s4  }
0x9b: {  	s4 =	sld [smem:$0x3FFD];
	_ =	sdelay $0x3  }
0x9c: {  	_ =	strace s4  }
0x9d: {  	_ =	strace $0x8FFFFFFF  }
0x9e: {  	s19 =	sld [smem:$0x3FDB];
	_ =	sdelay $0x1  }
0x9f: {  	s5 =	simm.s32 $_scs_section_size  }
0xa0: {  	s6 =	simm.s32 $_size__tile_overlayer_lowered;
	s7 =	simm.s32 $_tile_overlayer_lowered  }
0xa1: {  	s22 =	simm.s32 $0x1BFF;
	s21 =	sshll.u32 s7, $0x1;
	s4 =	sadd.s32 s5, s19  }
0xa2: {  	s8 =	simm.s32 $0x0;
	s20 =	sshll.u32 s6, $0x1;
	s6 =	sadd.s32 s21, s4  }
0xa3: {  	[timem:s8], [sflag:s22] =	dma.local [hbm:s6], s20  }
0xa4: {  	_ =	swait.ge [sflag:s22], s20  }
0xa5: {  	s5 =	ssub.s32 $0x0, s20;
	[sflag:s22] =	ssyncset.done $0x0  }
0xa6: {  	[sflag:s22] =	ssyncadd.s32 s5;
	_ =	sdelay $0x1  }
0xa7: {  	s23 =	simm.s32 $0x1B8B  }
0xa8: {  	_ =	swait.ge [sflag:s23], $0x1  }
0xa9: {  	[sflag:s23] =	ssyncset.done $0x0  }
0xaa: {  	s25 =	simm.s32 $0x1B8E;
	s24 =	sld [smem:$0x3FFE];
	[sflag:s23] =	ssyncadd.s32 $0xFFFFFFFF  }
0xab: {  	s26 =	simm.s32 $execute0_lowered;
	[smem:$0x3FD2] =	sst s25  }
0xac: {  	s6 =	sshll.u32 s26, $0x1;
	_ =	strace $0x80000049;
	[dreg:$0x1] =	wrdreg $0xFFFFFFFF  }
0xad: {  	s28 =	simm.s32 $_size_execute0_lowered;
	s4 =	sadd.s32 s4, s6;
	[dreg:$0x0] =	wrdreg $0x0  }
0xae: {  	s6 =	sshll.u32 s28, $0x1;
	[dreg:$0x2] =	wrdreg s4  }
0xaf: {  	[dreg:$0x3] =	wrdreg s6  }
0xb0: {  	[dreg:$0x4] =	wrdreg $0xC0  }
0xb1: {  	_ =	task [dreg:s8], $0x5FFFF  }
0xb2: {  	[dreg:$0x1] =	wrdreg $0xFFFFFFFF  }
0xb3: {  	[dreg:$0x0] =	wrdreg $0x60  }
0xb4: {  	[dreg:$0x2] =	wrdreg s17  }
0xb5: {  	[dreg:$0x3] =	wrdreg s16  }
0xb6: {  	[dreg:$0x4] =	wrdreg s24  }
0xb7: {  	[dreg:$0x5] =	wrdreg $0x9  }
0xb8: {  	_ =	task.clear_ibuf [dreg:s8], $0x6FFFF;
	_ =	strace $0x90000049  }
0xb9: {  	s29 =	simm.s32 $0x9;
	_ =	strace $0x8000004B  }
0xba: {  	_ =	swait.ge [sflag:s29], $0x1  }
0xbb: {  	[sflag:s29] =	ssyncadd.s32 $0xFFFFFFFF  }
0xbc: {  	_ =	strace $0x9000004B  }
0xbd: {  	_ =	sfence  }
0xbe: {  	s30 =	sld [smem:$0x0];
	_ =	sdelay $0x2  }
0xbf: {  	s31 =	sshll.u32 s1, $0xD;
	s1 =	sshrl.u32 s1, $0x2  }
0xc0: {  	s3 =	sand.u32 $0x4000, s31;
	s1 =	sadd.s32 s1, s30  }
0xc1: {  	s0 =	sor.u32 s3, s0;
	s1 =	sshll.u32 s1, $0x11  }
0xc2: {  	s0 =	sor.u32 s1, s0  }
0xc3: {  	s0 =	sadd.s32 $0x8F2B, s0  }
0xc4: {  	[sflag:s0] =	ssyncadd.remote.s32 $0x1  }
0xc5: {  	_ =	sfence.sel $0xFFFF  }
0xc6: {  	[dreg:$0x0] =	wrdreg $0xFFFFFFFF;
	(pc) =	sbr.abs _section_cstart, $3  }
0xc7: {  	[dreg:$0x1] =	wrdreg $0xFFFFFFFF  }
0xc8: {  	_ =	task.clear_ibuf [dreg:s8], $0x2FFFF;
	_ =	strace $0x9FFFFFFF  }
0xc9: {  	(tm) =	ssettm $0x7FFFFFFF  }
tec
execute0_lowered:
.L_overlay_start_1:
0x0: {  	(tag) =	ssettag $0x1  }
0x1: {  	s2 =	rddreg [dreg:$0x0]  }
0x2: {  	s6 =	rddreg [dreg:$0x1]  }
0x3: {  	s4 =	rddreg [dreg:$0x2]  }
0x4: {  	s0 =	rddreg [dreg:$0x3];
	s1 =	stileid.u32  }
0x5: {  	s7 =	srdreg.scid;
	s5 =	smul.u32 $0x28000, s1  }
0x6: {  	s3 =	simm.s32 $0x0;
	s7 =	sand.u32 $0x1, s7;
	s8 =	smul.u32 $0x2800, s1  }
0x7: {  	[smem:$0x7FF] =	sst s3;
	s9 =	ssub.s32 $0x2, s7;
	s10 =	smul.u32 $0x1400, s7  }
0x8: {  	s7 =	smul.u32 $0x14000, s7;
	_ =	strace $0x8000004A;
	s30 =	sshrl.u32 s9, $0x1  }
0x9: {  	s5 =	sadd.s32 s5, s4;
	s4 =	ssub.s32 s9, s30;
	s8 =	sadd.s32 s10, s8  }
0xa: {  	s5 =	sadd.s32 s7, s5;
	s7 =	simm.s32 $0x2;
	s9 =	simm.s32 $0x1  }
0xb: {  	s10 =	simm.s32 $0x0;
	s4 =	smax.u32 s4, $0x1;
	s31 =	sshrl.u32 s8, $0x3  }
0xc: {  	s5 =	sadd.s32 $0x6A00, s5;
	s8 =	simm.s32 $0x80;
	s6 =	sadd.s32 s31, s6  }
.LBB2_1:
0xd: {  	s11 =	sadd.s32 $0x0, s6  }
0xe: {  	[tilespmem:s3], [sflag:$0x2] =	stream.linear.gather [hbm4b:s11+s3], $0x80, $0x38;
	[tilespmem:$0x4080] =	vst v63  }
0xf: {  	_ =	swait.ge [sflag:s7], $0x80  }
0x10: {  	[sflag:s7] =	ssyncset.done $0x0  }
0x11: {  	[sflag:s7] =	ssyncadd.s32 $0xFFFFFF80  }
0x12: {  	[tilespmem:s8], [sflag:$0x1] =	stream.indirect.gather [hbm4b:s2+s8], $0x80, s3, s8, $0xb8;
	[tilespmem:$0x4080] =	vst v63  }
0x13: {  	_ =	swait.ge [sflag:s9], $0x4000  }
0x14: {  	[sflag:s9] =	ssyncset.done $0x0  }
0x15: {  	[sflag:s9] =	ssyncadd.s32 $0xFFFFC000  }
0x16: {  	[hbm4b:s5+s3] =	stream.linear.scatter [tilespmem:s8], [sflag:$0x2], $0x4000, $0x38;
	[tilespmem:$0x4080] =	vst v63  }
0x17: {  	s12 =	simm.s32 $0x10;
	_ =	swait.ge [sflag:s7], $0x4000  }
0x18: {  	s13 =	simm.s32 $0x20;
	s11 =	sadd.s32 $0x800, s5;
	[sflag:s7] =	ssyncset.done $0x0  }
.LBB2_2:
0x19: {  	s14 =	sadd.s32 s12, s6  }
0x1a: {  	[sflag:s7] =	ssyncadd.s32 $0xFFFFC000;
	s12 =	smov.u32 s13;
	s15 =	sadd.s32 $0x10, s13  }
0x1b: {  	[tilespmem:s3], [sflag:$0x2] =	stream.linear.gather [hbm4b:s14+s3], $0x80, $0x38;
	[tilespmem:$0x4080] =	vst v63  }
0x1c: {  	p0 =	sne.s32 s13, $0x270;
	_ =	swait.ge [sflag:s7], $0x80  }
0x1d: {  	[sflag:s7] =	ssyncset.done $0x0  }
0x1e: {  	[sflag:s7] =	ssyncadd.s32 $0xFFFFFF80  }
0x1f: {  	[tilespmem:s8], [sflag:$0x1] =	stream.indirect.gather [hbm4b:s2+s8], $0x80, s3, s8, $0xb8;
	[tilespmem:$0x4080] =	vst v63  }
0x20: {  	_ =	swait.ge [sflag:s9], $0x4000  }
.Ltmp0:
0x21: {  	[sflag:s9] =	ssyncset.done $0x0;
	(pc) =	sbr.rel @p0 .LBB2_2-.Ltmp0, $4  }
0x22: {  	[sflag:s9] =	ssyncadd.s32 $0xFFFFC000  }
0x23: {  	[hbm4b:s11+s3] =	stream.linear.scatter [tilespmem:s8], [sflag:$0x2], $0x4000, $0x38;
	[tilespmem:$0x4080] =	vst v63  }
0x24: {  	_ =	swait.ge [sflag:s7], $0x4000  }
0x25: {  	s13 =	smov.u32 s15;
	s11 =	sadd.s32 $0x800, s11;
	[sflag:s7] =	ssyncset.done $0x0  }
0x26: {  	s12 =	sadd.s32 s12, s6;
	[sflag:s7] =	ssyncadd.s32 $0xFFFFC000  }
0x27: {  	[tilespmem:s3], [sflag:$0x2] =	stream.linear.gather [hbm4b:s12+s3], $0x80, $0x38;
	[tilespmem:$0x4080] =	vst v63  }
0x28: {  	_ =	swait.ge [sflag:s7], $0x80  }
0x29: {  	[sflag:s7] =	ssyncset.done $0x0  }
0x2a: {  	[sflag:s7] =	ssyncadd.s32 $0xFFFFFF80  }
0x2b: {  	[tilespmem:s8], [sflag:$0x1] =	stream.indirect.gather [hbm4b:s2+s8], $0x80, s3, s8, $0xb8;
	[tilespmem:$0x4080] =	vst v63  }
0x2c: {  	s10 =	sadd.s32 $0x1, s10;
	_ =	swait.ge [sflag:s9], $0x4000  }
0x2d: {  	p0 =	sne.s32 s10, s4;
	[sflag:s9] =	ssyncset.done $0x0  }
.Ltmp1:
0x2e: {  	[sflag:s9] =	ssyncadd.s32 $0xFFFFC000;
	(pc) =	sbr.rel @p0 .LBB2_1-.Ltmp1, $4  }
0x2f: {  	[hbm4b:s11+s3] =	stream.linear.scatter [tilespmem:s8], [sflag:$0x2], $0x4000, $0x38;
	[tilespmem:$0x4080] =	vst v63  }
0x30: {  	_ =	swait.ge [sflag:s7], $0x4000  }
0x31: {  	[sflag:s7] =	ssyncset.done $0x0  }
0x32: {  	[sflag:s7] =	ssyncadd.s32 $0xFFFFC000  }
0x33: {  	_ =	sfence.sel $0x180000  }
0x34: {  	[bflag:$0x0] =	sbarrier.arrive $0xFFFF  }
0x35: {  	p0 =	sne.s32 s1, $0x0;
	_ =	strace $0x9000004A  }
0x36: {  	s0 =	sadd.s32 @!p0 $0x100000, s0;
	[bflag:$0x2] =	sbarrier.arrive $0xFFFF  }
0x37: {  	[sflag:s0] =	ssyncadd.tile.s32 @!p0 $0x1;
	_ =	shalt  }
.Lfunc_end2:
_tile_overlayer_lowered:
.L_overlay_start_2:
0x38: {  	(tag) =	ssettag $0x2  }
0x39: {  	s0 =	rddreg [dreg:$0x0];
	s2 =	stileid.u32  }
0x3a: {  	s1 =	rddreg [dreg:$0x1];
	p0 =	sne.s32 s2, $0x0  }
0x3b: {  	s3 =	rddreg [dreg:$0x2];
	[bflag:$0x3] =	sbarrier.arrive $0xFFFF;
	s2 =	simm.s32 @!p0 $0x1C02  }
0x3c: {  	[timem:s3], [sflag:s2] =	dma.local @!p0 [hbm:s0], s1  }
0x3d: {  	s0 =	simm.s32 @!p0 $0x2  }
0x3e: {  	_ =	swait.ge @!p0 [sflag:s0], s1  }
0x3f: {  	s1 =	ssub.s32 @!p0 $0x0, s1;
	[sflag:s0] =	ssyncset.done @!p0 $0x0  }
0x40: {  	[sflag:s0] =	ssyncadd.s32 @!p0 s1  }
0x41: {  	[bflag:$0x3] =	sbarrier.arrive $0xFFFF  }
0x42: {  	_ =	shalt  }

// kernel: kernel.39.cloned.1.call-start
scs
__scs_entry_jumppad:
0x0: {  	(pc) =	sbr.rel $0x88, $3  }
0x1: {  	(tag) =	ssettag $0x0;
	lr =	simm.s32 $0x1  }
0x2: {  	[smem:$0x3F81] =	sst lr;
	_ =	strace $0xD0000000  }
0x3: {  	_ = 	snop  }
0x4: {  	_ = 	snop  }
0x5: {  	_ = 	snop  }
0x6: {  	_ = 	snop  }
0x7: {  	_ = 	snop  }
__scs_overlays_trampoline_lowered:
0x8: {  	[smem:$0x3F90] =	sst s0  }
0x9: {  	[smem:$0x3F91] =	sst s1  }
0xa: {  	[smem:$0x3F92] =	sst s2  }
0xb: {  	[smem:$0x3F93] =	sst s3  }
0xc: {  	[smem:$0x3F94] =	sst s4  }
0xd: {  	[smem:$0x3F95] =	sst s5  }
0xe: {  	[smem:$0x3F96] =	sst s6  }
0xf: {  	[smem:$0x3F97] =	sst s7  }
0x10: {  	[smem:$0x3F98] =	sst s8  }
0x11: {  	[smem:$0x3F99] =	sst s9;
	s0 =	simm.s32 @!p0 $0x0  }
0x12: {  	s1 =	sld [smem:$0x3F7F];
	s0 =	simm.s32 @p0 $0x1  }
0x13: {  	[smem:$0x3F9A] =	sst s0;
	s0 =	simm.s32 @!p1 $0x0  }
0x14: {  	s2 =	sld [smem:$0x3F7E];
	s0 =	simm.s32 @p1 $0x1  }
0x15: {  	[smem:$0x3F9B] =	sst s0;
	s0 =	simm.s32 @!p2 $0x0  }
0x16: {  	s3 =	sld [smem:$0x3FDB];
	s0 =	simm.s32 @p2 $0x1  }
0x17: {  	s4 =	simm.s32 $0x1BF5;
	[smem:$0x3F9D] =	sst s0  }
0x18: {  	s0 =	sld [smem:$0x3F80];
	_ =	swait.ge [sflag:s4], $0x0  }
0x19: {  	s7 =	sld [smem:$0x3F81]  }
0x1a: {  	s8 =	sadd.s32 $0xFFFFE003, lr  }
0x1b: {  	s9 =	sadd.s32 $0xFFFFFEF7, lr;
	s5 =	simm.s32 $0xFFFFFFFF;
	p2 =	slt.u32 s8, $0xFFFFF086  }
0x1c: {  	p1 =	slt.u32 s9, $0xF7A;
	s5 =	simm.s32 @!p2 $0x0  }
0x1d: {  	s5 =	simm.s32 @p1 $0x1;
	p0 =	seq.s32 s7, s2  }
0x1e: {  	s7 =	smul.u32 @!p0 $0xF7A, s2;
	p2 =	seq.s32 @!p0 s5, $0x0  }
0x1f: {  	s9 =	smul.u32 $0xF7A, s1;
	s8 =	simm.s32 @!p0 $0x1BF5;
	p2 =	por !p2, p0  }
0x20: {  	[sflag:s8] =	ssyncset.s32 @!p0 $0xFFFFF086;
	s6 =	sadd.s32 @!p0 s3, s7;
	s7 =	simm.s32 @!p0 $0x108  }
0x21: {  	s3 =	sadd.s32 s3, s9;
	s6 =	sadd.s32 @!p0 $0x88, s6;
	s7 =	simm.s32 @p2 $0x1082  }
0x22: {  	[simem:s7], [sflag:s8] =	dma.local @!p0 [hbm:s6], $0xF7A  }
0x23: {  	s9 =	sor.u32 $0xD0000000, s2;
	s6 =	simm.s32 $0x108;
	_ =	swait.ge @!p0 [sflag:s8], $0x0  }
0x24: {  	s3 =	sadd.s32 $0x88, s3;
	s6 =	simm.s32 @!p1 $0x1082;
	[sflag:s4] =	ssyncset.s32 $0xFFFFF086  }
0x25: {  	[simem:s6], [sflag:s4] =	dma.local [hbm:s3], $0xF7A  }
0x26: {  	[smem:$0x3F81] =	sst s1;
	(tag) =	ssettag s2;
	_ =	strace s9  }
0x27: {  	s1 =	sld [smem:$0x3F91]  }
0x28: {  	s2 =	sld [smem:$0x3F92]  }
0x29: {  	s4 =	sld [smem:$0x3F94]  }
0x2a: {  	p0 =	seq.s32 s5, $0x0;
	s5 =	sld [smem:$0x3F95]  }
0x2b: {  	s6 =	sld [smem:$0x3F96]  }
0x2c: {  	s7 =	sld [smem:$0x3F97]  }
0x2d: {  	s3 =	simm.s32 $0x108;
	s8 =	sld [smem:$0x3F98]  }
0x2e: {  	s3 =	simm.s32 @!p0 $0x1082;
	s9 =	sld [smem:$0x3F99]  }
0x2f: {  	lr =	sadd.s32 s0, s3;
	s0 =	sld [smem:$0x3F90]  }
0x30: {  	s3 =	sld [smem:$0x3F93]  }
0x31: {  	[smem:$0x3F9C] =	sst s10  }
0x32: {  	s10 =	sld [smem:$0x3F9A];
	_ =	sdelay $0x3  }
0x33: {  	p0 =	seq.s32 s10, $0x1;
	s10 =	sld [smem:$0x3F9C];
	_ =	sdelay $0x3  }
0x34: {  	[smem:$0x3F9C] =	sst s10  }
0x35: {  	s10 =	sld [smem:$0x3F9B];
	_ =	sdelay $0x3  }
0x36: {  	p1 =	seq.s32 s10, $0x1;
	s10 =	sld [smem:$0x3F9C];
	_ =	sdelay $0x3  }
0x37: {  	[smem:$0x3F9C] =	sst s10  }
0x38: {  	s10 =	sld [smem:$0x3F9D]  }
0x39: {  	_ = 	snop;
	(pc) =	sbr.ind lr, $3  }
0x3a: {  	_ = 	snop  }
0x3b: {  	_ = 	snop  }
0x3c: {  	p2 =	seq.s32 s10, $0x1;
	s10 =	sld [smem:$0x3F9C]  }
0x3d: {  	_ =	shalt  }
0x3e: {  	_ =	shalt  }
0x3f: {  	_ =	shalt  }
0x40: {  	_ =	shalt  }
0x41: {  	_ =	shalt  }
0x42: {  	_ =	shalt  }
0x43: {  	_ =	shalt  }
0x44: {  	_ =	shalt  }
0x45: {  	_ =	shalt  }
0x46: {  	_ =	shalt  }
0x47: {  	_ =	shalt  }
0x48: {  	_ =	shalt  }
0x49: {  	_ =	shalt  }
0x4a: {  	_ =	shalt  }
0x4b: {  	_ =	shalt  }
0x4c: {  	_ =	shalt  }
0x4d: {  	_ =	shalt  }
0x4e: {  	_ =	shalt  }
0x4f: {  	_ =	shalt  }
0x50: {  	_ =	shalt  }
0x51: {  	_ =	shalt  }
0x52: {  	_ =	shalt  }
0x53: {  	_ =	shalt  }
0x54: {  	_ =	shalt  }
0x55: {  	_ =	shalt  }
0x56: {  	_ =	shalt  }
0x57: {  	_ =	shalt  }
0x58: {  	_ =	shalt  }
0x59: {  	_ =	shalt  }
0x5a: {  	_ =	shalt  }
0x5b: {  	_ =	shalt  }
0x5c: {  	_ =	shalt  }
0x5d: {  	_ =	shalt  }
0x5e: {  	_ =	shalt  }
0x5f: {  	_ =	shalt  }
0x60: {  	_ =	shalt  }
0x61: {  	_ =	shalt  }
0x62: {  	_ =	shalt  }
0x63: {  	_ =	shalt  }
0x64: {  	_ =	shalt  }
0x65: {  	_ =	shalt  }
0x66: {  	_ =	shalt  }
0x67: {  	_ =	shalt  }
0x68: {  	_ =	shalt  }
0x69: {  	_ =	shalt  }
0x6a: {  	_ =	shalt  }
0x6b: {  	_ =	shalt  }
0x6c: {  	_ =	shalt  }
0x6d: {  	_ =	shalt  }
0x6e: {  	_ =	shalt  }
0x6f: {  	_ =	shalt  }
0x70: {  	_ =	shalt  }
0x71: {  	_ =	shalt  }
0x72: {  	_ =	shalt  }
0x73: {  	_ =	shalt  }
0x74: {  	_ =	shalt  }
0x75: {  	_ =	shalt  }
0x76: {  	_ =	shalt  }
0x77: {  	_ =	shalt  }
0x78: {  	_ =	shalt  }
0x79: {  	_ =	shalt  }
0x7a: {  	_ =	shalt  }
0x7b: {  	_ =	shalt  }
0x7c: {  	_ =	shalt  }
0x7d: {  	_ =	shalt  }
0x7e: {  	_ =	shalt  }
0x7f: {  	_ =	shalt  }
0x80: {  	_ =	shalt  }
0x81: {  	_ =	shalt  }
0x82: {  	_ =	shalt  }
0x83: {  	_ =	shalt  }
0x84: {  	_ =	shalt  }
0x85: {  	_ =	shalt  }
0x86: {  	_ =	shalt  }
0x87: {  	_ =	shalt  }
.Lfunc_end0:
.L_simem_size_0:
called_computation.2_lowered:
.L_overlay_start_0:
0x88: {  	s2 =	sld [smem:$0x3FD9]  }
0x89: {  	s3 =	sld [smem:$0x3FFE];
	_ =	sdelay $0x1  }
0x8a: {  	s1 =	srdreg.scid  }
0x8b: {  	s0 =	sand.u32 $0x1, s1  }
0x8c: {  	s16 =	sshll.u32 s0, $0xA;
	s2 =	sadd.s32 s3, s2  }
0x8d: {  	s2 =	sadd.s32 s2, s16  }
0x8e: {  	[smem:$0x3FA8] =	sst s2  }
0x8f: {  	_ = 	snop  }
0x90: {  	(tm) =	ssettm $0x1  }
0x91: {  	s17 =	sld [smem:$0x3FFB];
	_ =	sdelay $0x3  }
0x92: {  	_ =	strace s17  }
0x93: {  	s2 =	sld [smem:$0x3FFC];
	_ =	sdelay $0x3  }
0x94: {  	_ =	strace s2  }
0x95: {  	s2 =	sld [smem:$0x3FFD];
	_ =	sdelay $0x3  }
0x96: {  	_ =	strace s2  }
0x97: {  	_ =	strace $0x8FFFFFFF  }
0x98: {  	s18 =	sld [smem:$0x3FDB];
	_ =	sdelay $0x1  }
0x99: {  	s19 =	simm.s32 $_scs_section_size  }
0x9a: {  	s4 =	simm.s32 $_size__tile_overlayer_lowered;
	s5 =	simm.s32 $_tile_overlayer_lowered  }
0x9b: {  	s22 =	simm.s32 $0x1BFF;
	s21 =	sshll.u32 s5, $0x1;
	s2 =	sadd.s32 s19, s18  }
0x9c: {  	s6 =	simm.s32 $0x0;
	s20 =	sshll.u32 s4, $0x1;
	s4 =	sadd.s32 s21, s2  }
0x9d: {  	[timem:s6], [sflag:s22] =	dma.local [hbm:s4], s20  }
0x9e: {  	_ =	swait.ge [sflag:s22], s20  }
0x9f: {  	s3 =	ssub.s32 $0x0, s20;
	[sflag:s22] =	ssyncset.done $0x0  }
0xa0: {  	[sflag:s22] =	ssyncadd.s32 s3;
	_ =	sdelay $0x1  }
0xa1: {  	s23 =	simm.s32 $0x1B8B  }
0xa2: {  	_ =	swait.ge [sflag:s23], $0x1  }
0xa3: {  	[sflag:s23] =	ssyncset.done $0x0  }
0xa4: {  	s25 =	simm.s32 $0x1B8E;
	s24 =	sld [smem:$0x3FFE];
	[sflag:s23] =	ssyncadd.s32 $0xFFFFFFFF  }
0xa5: {  	s26 =	simm.s32 $execute0_lowered;
	[smem:$0x3FD2] =	sst s25  }
0xa6: {  	s4 =	sshll.u32 s26, $0x1;
	_ =	strace $0x8000004C;
	[dreg:$0x1] =	wrdreg $0xFFFFFFFF  }
0xa7: {  	s28 =	simm.s32 $_size_execute0_lowered;
	s2 =	sadd.s32 s2, s4;
	[dreg:$0x0] =	wrdreg $0x0  }
0xa8: {  	s4 =	sshll.u32 s28, $0x1;
	[dreg:$0x2] =	wrdreg s2  }
0xa9: {  	[dreg:$0x3] =	wrdreg s4  }
0xaa: {  	[dreg:$0x4] =	wrdreg $0xC0  }
0xab: {  	_ =	task [dreg:s6], $0x5FFFF  }
0xac: {  	[dreg:$0x1] =	wrdreg $0xFFFFFFFF  }
0xad: {  	[dreg:$0x0] =	wrdreg $0x60  }
0xae: {  	[dreg:$0x2] =	wrdreg s24  }
0xaf: {  	[dreg:$0x3] =	wrdreg $0x9  }
0xb0: {  	_ =	task.clear_ibuf [dreg:s6], $0x4FFFF;
	_ =	strace $0x9000004C  }
0xb1: {  	s29 =	simm.s32 $0x9;
	_ =	strace $0x8000004E  }
0xb2: {  	_ =	swait.ge [sflag:s29], $0x1  }
0xb3: {  	[sflag:s29] =	ssyncadd.s32 $0xFFFFFFFF  }
0xb4: {  	_ =	strace $0x9000004E  }
0xb5: {  	_ =	sfence  }
0xb6: {  	s30 =	sld [smem:$0x0];
	_ =	sdelay $0x2  }
0xb7: {  	s31 =	sshll.u32 s1, $0xD;
	s1 =	sshrl.u32 s1, $0x2  }
0xb8: {  	s3 =	sand.u32 $0x4000, s31;
	s1 =	sadd.s32 s1, s30  }
0xb9: {  	s0 =	sor.u32 s3, s0;
	s1 =	sshll.u32 s1, $0x11  }
0xba: {  	s0 =	sor.u32 s1, s0  }
0xbb: {  	s0 =	sadd.s32 $0x8F2B, s0  }
0xbc: {  	[sflag:s0] =	ssyncadd.remote.s32 $0x1  }
0xbd: {  	_ =	sfence.sel $0xFFFF  }
0xbe: {  	[dreg:$0x0] =	wrdreg $0xFFFFFFFF;
	(pc) =	sbr.abs _section_cstart, $3  }
0xbf: {  	[dreg:$0x1] =	wrdreg $0xFFFFFFFF  }
0xc0: {  	_ =	task.clear_ibuf [dreg:s6], $0x2FFFF;
	_ =	strace $0x9FFFFFFF  }
0xc1: {  	(tm) =	ssettm $0x7FFFFFFF  }
tec
execute0_lowered:
.L_overlay_start_1:
0x0: {  	(tag) =	ssettag $0x1  }
0x1: {  	s4 =	rddreg [dreg:$0x0]  }
0x2: {  	s0 =	rddreg [dreg:$0x1];
	s2 =	simm.s32 $0x0;
	s1 =	stileid.u32  }
0x3: {  	s3 =	srdreg.scid;
	s10 =	simm.s32 $0x0;
	s6 =	smul.u32 $0x2800, s1  }
0x4: {  	[smem:$0x7FF] =	sst s2;
	s5 =	sand.u32 $0x1, s3;
	s8 =	smul.u32 $0x28000, s1  }
0x5: {  	s3 =	sadd.s32 $0x6A00, s4;
	s7 =	smul.u32 $0x1400, s5;
	s9 =	ssub.s32 $0x2, s5  }
0x6: {  	_ =	strace $0x8000004D;
	s5 =	smul.u32 $0x14000, s5;
	s31 =	sshrl.u32 s9, $0x1  }
0x7: {  	s8 =	sadd.s32 s8, s4;
	s6 =	sadd.s32 s7, s6;
	s7 =	ssub.s32 s9, s31  }
0x8: {  	s5 =	sadd.s32 s5, s8;
	s8 =	simm.s32 $0x80;
	s6 =	sshrl.u32 s6, $0x3  }
0x9: {  	s9 =	simm.s32 $0x1;
	s5 =	sadd.s32 $0x4BA00, s5;
	s6 =	sadd.s32 s6, s4  }
0xa: {  	s4 =	smax.u32 s7, $0x1;
	s7 =	simm.s32 $0x2;
	s6 =	sadd.s32 $0x46A00, s6  }
.LBB2_1:
0xb: {  	s11 =	sadd.s32 $0x0, s6  }
0xc: {  	[tilespmem:s2], [sflag:$0x2] =	stream.linear.gather [hbm4b:s11+s2], $0x80, $0x38;
	[tilespmem:$0x4080] =	vst v63  }
0xd: {  	_ =	swait.ge [sflag:s7], $0x80  }
0xe: {  	[sflag:s7] =	ssyncset.done $0x0  }
0xf: {  	[sflag:s7] =	ssyncadd.s32 $0xFFFFFF80  }
0x10: {  	[tilespmem:s8], [sflag:$0x1] =	stream.indirect.gather [hbm4b:s3+s8], $0x80, s2, s8, $0xb8;
	[tilespmem:$0x4080] =	vst v63  }
0x11: {  	_ =	swait.ge [sflag:s9], $0x4000  }
0x12: {  	[sflag:s9] =	ssyncset.done $0x0  }
0x13: {  	[sflag:s9] =	ssyncadd.s32 $0xFFFFC000  }
0x14: {  	[hbm4b:s5+s2] =	stream.linear.scatter [tilespmem:s8], [sflag:$0x2], $0x4000, $0x38;
	[tilespmem:$0x4080] =	vst v63  }
0x15: {  	s12 =	simm.s32 $0x10;
	_ =	swait.ge [sflag:s7], $0x4000  }
0x16: {  	s13 =	simm.s32 $0x20;
	s11 =	sadd.s32 $0x800, s5;
	[sflag:s7] =	ssyncset.done $0x0  }
.LBB2_2:
0x17: {  	s14 =	sadd.s32 s12, s6  }
0x18: {  	[sflag:s7] =	ssyncadd.s32 $0xFFFFC000;
	s12 =	smov.u32 s13;
	s15 =	sadd.s32 $0x10, s13  }
0x19: {  	[tilespmem:s2], [sflag:$0x2] =	stream.linear.gather [hbm4b:s14+s2], $0x80, $0x38;
	[tilespmem:$0x4080] =	vst v63  }
0x1a: {  	p0 =	sne.s32 s13, $0x270;
	_ =	swait.ge [sflag:s7], $0x80  }
0x1b: {  	[sflag:s7] =	ssyncset.done $0x0  }
0x1c: {  	[sflag:s7] =	ssyncadd.s32 $0xFFFFFF80  }
0x1d: {  	[tilespmem:s8], [sflag:$0x1] =	stream.indirect.gather [hbm4b:s3+s8], $0x80, s2, s8, $0xb8;
	[tilespmem:$0x4080] =	vst v63  }
0x1e: {  	_ =	swait.ge [sflag:s9], $0x4000  }
.Ltmp0:
0x1f: {  	[sflag:s9] =	ssyncset.done $0x0;
	(pc) =	sbr.rel @p0 .LBB2_2-.Ltmp0, $4  }
0x20: {  	[sflag:s9] =	ssyncadd.s32 $0xFFFFC000  }
0x21: {  	[hbm4b:s11+s2] =	stream.linear.scatter [tilespmem:s8], [sflag:$0x2], $0x4000, $0x38;
	[tilespmem:$0x4080] =	vst v63  }
0x22: {  	_ =	swait.ge [sflag:s7], $0x4000  }
0x23: {  	s13 =	smov.u32 s15;
	s11 =	sadd.s32 $0x800, s11;
	[sflag:s7] =	ssyncset.done $0x0  }
0x24: {  	s12 =	sadd.s32 s12, s6;
	[sflag:s7] =	ssyncadd.s32 $0xFFFFC000  }
0x25: {  	[tilespmem:s2], [sflag:$0x2] =	stream.linear.gather [hbm4b:s12+s2], $0x80, $0x38;
	[tilespmem:$0x4080] =	vst v63  }
0x26: {  	_ =	swait.ge [sflag:s7], $0x80  }
0x27: {  	[sflag:s7] =	ssyncset.done $0x0  }
0x28: {  	[sflag:s7] =	ssyncadd.s32 $0xFFFFFF80  }
0x29: {  	[tilespmem:s8], [sflag:$0x1] =	stream.indirect.gather [hbm4b:s3+s8], $0x80, s2, s8, $0xb8;
	[tilespmem:$0x4080] =	vst v63  }
0x2a: {  	s10 =	sadd.s32 $0x1, s10;
	_ =	swait.ge [sflag:s9], $0x4000  }
0x2b: {  	p0 =	sne.s32 s10, s4;
	[sflag:s9] =	ssyncset.done $0x0  }
.Ltmp1:
0x2c: {  	[sflag:s9] =	ssyncadd.s32 $0xFFFFC000;
	(pc) =	sbr.rel @p0 .LBB2_1-.Ltmp1, $4  }
0x2d: {  	[hbm4b:s11+s2] =	stream.linear.scatter [tilespmem:s8], [sflag:$0x2], $0x4000, $0x38;
	[tilespmem:$0x4080] =	vst v63  }
0x2e: {  	_ =	swait.ge [sflag:s7], $0x4000  }
0x2f: {  	[sflag:s7] =	ssyncset.done $0x0  }
0x30: {  	[sflag:s7] =	ssyncadd.s32 $0xFFFFC000  }
0x31: {  	_ =	sfence.sel $0x180000  }
0x32: {  	[bflag:$0x0] =	sbarrier.arrive $0xFFFF  }
0x33: {  	p0 =	sne.s32 s1, $0x0;
	_ =	strace $0x9000004D  }
0x34: {  	s0 =	sadd.s32 @!p0 $0x100000, s0;
	[bflag:$0x2] =	sbarrier.arrive $0xFFFF  }
0x35: {  	[sflag:s0] =	ssyncadd.tile.s32 @!p0 $0x1;
	_ =	shalt  }
.Lfunc_end2:
_tile_overlayer_lowered:
.L_overlay_start_2:
0x36: {  	(tag) =	ssettag $0x2  }
0x37: {  	s0 =	rddreg [dreg:$0x0];
	s2 =	stileid.u32  }
0x38: {  	s1 =	rddreg [dreg:$0x1];
	p0 =	sne.s32 s2, $0x0  }
0x39: {  	s3 =	rddreg [dreg:$0x2];
	[bflag:$0x3] =	sbarrier.arrive $0xFFFF;
	s2 =	simm.s32 @!p0 $0x1C02  }
0x3a: {  	[timem:s3], [sflag:s2] =	dma.local @!p0 [hbm:s0], s1  }
0x3b: {  	s0 =	simm.s32 @!p0 $0x2  }
0x3c: {  	_ =	swait.ge @!p0 [sflag:s0], s1  }
0x3d: {  	s1 =	ssub.s32 @!p0 $0x0, s1;
	[sflag:s0] =	ssyncset.done @!p0 $0x0  }
0x3e: {  	[sflag:s0] =	ssyncadd.s32 @!p0 s1  }
0x3f: {  	[bflag:$0x3] =	sbarrier.arrive $0xFFFF  }
0x40: {  	_ =	shalt  }

</sc_bundles>
